<compile_context>
chip_gen: v7x
topology: tpu7x:2x2x1
jax: 0.10.2.dev20260603
libtpu: 0.0.44.dev20260713+nightly
codegen_flags: <defaults>
</compile_context>

<pallas_src>
import functools

import jax
import jax.numpy as jnp
from jax import lax
from jax.experimental import pallas as pl
from jax.experimental.pallas import tpu as pltpu
from jax.experimental.pallas import tpu_sc as plsc

DIM = 32
NWORDS = 16384
NCTX = 10
NC, NS = 2, 16
NW = NC * NS
B_PER_W = NWORDS // NW
CHUNK = 128
NCHUNK = B_PER_W // CHUNK
EPS = 1e-8


def _sc_gather_body(word_tbl, widx, out_words, idx_v, rows_v, sem):
    wid = lax.axis_index("s") * NC + lax.axis_index("c")
    pltpu.sync_copy(widx.at[pl.ds(wid * NCHUNK, NCHUNK)], idx_v)
    copies = []
    for j in range(NCHUNK):
        copies.append(
            pltpu.async_copy(word_tbl.at[idx_v.at[j]], rows_v.at[j], sem))
    for c in copies:
        c.wait()
    pltpu.sync_copy(rows_v, out_words.at[pl.ds(wid * NCHUNK, NCHUNK)])


@functools.cache
def _sc_gather():
    return functools.partial(
        pl.kernel,
        out_type=jax.ShapeDtypeStruct((NW * NCHUNK, CHUNK, DIM), jnp.float32),
        mesh=plsc.VectorSubcoreMesh(core_axis_name="c", subcore_axis_name="s",
                                    num_cores=NC, num_subcores=NS),
        scratch_types=[
            pltpu.VMEM((NCHUNK, CHUNK), jnp.int32),
            pltpu.VMEM((NCHUNK, CHUNK, DIM), jnp.float32),
            pltpu.SemaphoreType.DMA,
        ],
        compiler_params=pltpu.CompilerParams(use_tc_tiling_on_sc=False),
    )(_sc_gather_body)


def _tc_dense_body(cidx_ref, ctx_tbl_ref, e_ref, w1t_ref, w2_ref, out_ref,
                   ccols, sem):
    copies = []
    for i in range(NCTX):
        blk = (cidx_ref[i] // 128) * 128
        copies.append(pltpu.async_copy(
            ctx_tbl_ref.at[:, pl.ds(blk, 128)],
            ccols.at[i], sem))
    for c in copies:
        c.wait()
    h1 = jnp.zeros((1, DIM), jnp.float32)
    lane = jax.lax.broadcasted_iota(jnp.int32, (1, 128), 1)
    for i in range(NCTX):
        off = cidx_ref[i] % 128
        col = jnp.sum(jnp.where(lane == off, ccols[i], 0.0),
                      axis=1, keepdims=True)
        colb = col.astype(jnp.bfloat16).astype(jnp.float32)
        blk = w1t_ref[i * DIM:(i + 1) * DIM, :]
        blkb = blk.astype(jnp.bfloat16).astype(jnp.float32)
        h1 = h1 + jnp.sum(blkb * colb, axis=0, keepdims=True)
    h2 = lax.dot_general(
        e_ref[...].astype(jnp.bfloat16),
        w2_ref[...].astype(jnp.bfloat16),
        (((1,), (1,)), ((), ())),
        preferred_element_type=jnp.float32)
    num = jnp.sum(h2 * h1, axis=1, keepdims=True)
    n1 = jnp.sqrt(jnp.sum(h1 * h1))
    n2 = jnp.sqrt(jnp.sum(h2 * h2, axis=1, keepdims=True))
    denom = jnp.maximum(n1, EPS) * jnp.maximum(n2, EPS)
    out_ref[...] = num / denom


_tc_dense = pl.pallas_call(
    _tc_dense_body,
    in_specs=[
        pl.BlockSpec(memory_space=pltpu.SMEM),
        pl.BlockSpec(memory_space=pl.ANY),
        pl.BlockSpec(memory_space=pltpu.VMEM),
        pl.BlockSpec(memory_space=pltpu.VMEM),
        pl.BlockSpec(memory_space=pltpu.VMEM),
    ],
    out_specs=pl.BlockSpec(memory_space=pltpu.VMEM),
    scratch_shapes=[
        pltpu.VMEM((NCTX, DIM, 128), jnp.float32),
        pltpu.SemaphoreType.DMA,
    ],
    out_shape=jax.ShapeDtypeStruct((NWORDS, 1), jnp.float32),
)


def kernel(context, words, ctx_table, word_table, W1, W2):
    widx = words.astype(jnp.int32).reshape(NW * NCHUNK, CHUNK)
    e3 = _sc_gather()(word_table, widx)
    e = e3.reshape(NWORDS, DIM)
    score = _tc_dense(context.astype(jnp.int32), ctx_table.T, e, W1.T, W2)
    return score.reshape(NWORDS)

# --- scband reference (transcript-rebuilt; emitter-appended) ---
"""Pipeline reference for scband-simple-model-77644418777220 (READ-ONLY COPY).

The authoritative reference and input builder live on the scoring server;
editing this copy changes nothing except your own understanding.
"""

import jax, jax.numpy as jnp
import numpy as np

VOCAB = 1000000
DIM = 32
WIN = 5
NWORDS = 16384


def setup_inputs(seed: int = 0) -> dict:
    key = jax.random.key(seed)
    k1, k2, k3, k4, k5, k6 = jax.random.split(key, 6)
    context = jax.random.randint(k1, (2 * WIN,), 0, VOCAB)
    words = jax.random.randint(k2, (NWORDS,), 0, VOCAB)
    ctx_table = jax.random.normal(k3, (VOCAB, DIM), dtype=jnp.float32)
    word_table = jax.random.normal(k4, (VOCAB, DIM), dtype=jnp.float32)
    bound1 = 1.0 / np.sqrt(2 * WIN * DIM)
    W1 = jax.random.uniform(k5, (DIM, 2 * WIN * DIM), dtype=jnp.float32, minval=-bound1, maxval=bound1)
    bound2 = 1.0 / np.sqrt(DIM)
    W2 = jax.random.uniform(k6, (DIM, DIM), dtype=jnp.float32, minval=-bound2, maxval=bound2)
    return {"context": context, "words": words, "ctx_table": ctx_table, "word_table": word_table, "W1": W1, "W2": W2}


def reference(context, words, ctx_table, word_table, W1, W2):
    # context_embeds = self.context_embedding(context).view(1, -1)
    context_embeds = jnp.take(ctx_table, context, axis=0).reshape(1, -1)  # [1, 2*WIN*DIM]
    # h1 = self.T1(context_embeds)  (Linear, no bias; torch weight is [out, in])
    h1 = context_embeds @ W1.T  # [1, DIM]
    # h1 = torch.flatten(torch.t(h1))
    h1 = jnp.transpose(h1).reshape(-1)  # [DIM]
    # h1 = h1.expand(words.shape[0], h1.shape[0])
    h1 = jnp.broadcast_to(h1, (words.shape[0], h1.shape[0]))  # [N, DIM]
    # word_embeds = self.word_embedding(words)
    word_embeds = jnp.take(word_table, words, axis=0)  # [N, DIM]
    # h2 = self.T2(word_embeds)
    h2 = word_embeds @ W2.T  # [N, DIM]
    # CosineSimilarity(dim=1, eps=1e-08)
    eps = 1e-8
    num = jnp.sum(h1 * h2, axis=1)
    n1 = jnp.sqrt(jnp.sum(h1 * h1, axis=1))
    n2 = jnp.sqrt(jnp.sum(h2 * h2, axis=1))
    score = num / (jnp.maximum(n1, eps) * jnp.maximum(n2, eps))
    return score

if __name__ == "__main__":
    import jax
    _d = setup_inputs()
    print(jax.jit(kernel)(*tuple(_d.values())))

</pallas_src>

<mosaic_0001>
#map = affine_map<(d0, d1) -> (0, 0)>
#map1 = affine_map<(d0, d1) -> (0, 0, 0)>
module attributes {stable_mosaic.version = 14 : i64} {
  func.func @_sc_gather_body(%arg0: i32, %arg1: i32, %arg2: memref<1000000x32xf32, #tpu.memory_space<hbm>>, %arg3: memref<128x128xi32, #tpu.memory_space<hbm>>, %arg4: memref<128x128x32xf32, #tpu.memory_space<hbm>>, %arg5: memref<4x128xi32, #tpu.memory_space<vmem>>, %arg6: memref<4x128x32xf32, #tpu.memory_space<vmem>>, %arg7: memref<!tpu.dma_semaphore, #tpu.memory_space<semaphore_mem>>) attributes {dimension_semantics = [#tpu.dimension_semantics<core_parallel>, #tpu.dimension_semantics<subcore_parallel>], iteration_bounds = array<i64: 2, 16>, scalar_prefetch = 0 : i64, scratch_operands = 3 : i64, tpu.core_type = #tpu.core_type<sc_vector_subcore>, window_params = [{transform_indices = #map}, {transform_indices = #map}, {transform_indices = #map1}]} {
    %mul3A = arith.constant 2 : i32
    %mul3A_0 = arith.muli %arg1, %mul3A : i32
    %add3A = arith.addi %mul3A_0, %arg0 : i32
    %mul3A_1 = arith.constant 4 : i32
    %mul3A_2 = arith.muli %add3A, %mul3A_1 : i32
    "tpu.region"() ({
      %run_scoped3A = tpu.sem_alloc : memref<!tpu.dma_semaphore, #tpu.memory_space<semaphore_mem>>
      %dma_start3A_99 = arith.constant 0 : i32
      %dma_start3A_100 = tpu.memref_slice %arg3[%mul3A_2, %dma_start3A_99] : memref<128x128xi32, #tpu.memory_space<hbm>> -> memref<4x128xi32, #tpu.memory_space<hbm>>
      %dma_start3A_101 = arith.constant 0 : i32
      %dma_start3A_102 = tpu.memref_slice %arg3[%mul3A_2, %dma_start3A_101] : memref<128x128xi32, #tpu.memory_space<hbm>> -> memref<4x128xi32, #tpu.memory_space<hbm>>
      tpu.enqueue_dma source(%dma_start3A_102 : memref<4x128xi32, #tpu.memory_space<hbm>>) target(%arg5 : memref<4x128xi32, #tpu.memory_space<vmem>>) target_semaphore(%run_scoped3A : memref<!tpu.dma_semaphore, #tpu.memory_space<semaphore_mem>>)
      %dma_wait3A_103 = arith.constant 0 : i32
      %dma_wait3A_104 = tpu.memref_slice %arg3[%mul3A_2, %dma_wait3A_103] : memref<128x128xi32, #tpu.memory_space<hbm>> -> memref<4x128xi32, #tpu.memory_space<hbm>>
      %dma_wait3A_105 = arith.constant 0 : i32
      %dma_wait3A_106 = tpu.memref_slice %arg3[%mul3A_2, %dma_wait3A_105] : memref<128x128xi32, #tpu.memory_space<hbm>> -> memref<4x128xi32, #tpu.memory_space<hbm>>
      tpu.wait_dma2 semaphore(%run_scoped3A : memref<!tpu.dma_semaphore, #tpu.memory_space<semaphore_mem>>) src(%dma_wait3A_106 : memref<4x128xi32, #tpu.memory_space<hbm>>) dst(%arg5 : memref<4x128xi32, #tpu.memory_space<vmem>>)
      tpu.yield
    }) : () -> ()
    %dma_start3A = arith.constant 0 : i32
    %dma_start3A_3 = arith.constant 0 : i32
    %dma_start3A_4 = arith.constant 0 : i32
    %dma_start3A_5 = arith.constant 0 : i32
    %dma_start3A_6 = tpu.memref_slice %arg6[%dma_start3A_3, %dma_start3A_4, %dma_start3A_5] : memref<4x128x32xf32, #tpu.memory_space<vmem>> -> memref<1x128x32xf32, #tpu.memory_space<vmem>>
    %dma_start3A_7 = tpu.memref_squeeze %dma_start3A_6 : memref<1x128x32xf32, #tpu.memory_space<vmem>> -> memref<128x32xf32, #tpu.memory_space<vmem>>
    %dma_start3A_8 = arith.constant 0 : i32
    %dma_start3A_9 = tpu.memref_slice %arg5[%dma_start3A, %dma_start3A_8] : memref<4x128xi32, #tpu.memory_space<vmem>> -> memref<1x128xi32, #tpu.memory_space<vmem>>
    %dma_start3A_10 = tpu.memref_squeeze %dma_start3A_9 : memref<1x128xi32, #tpu.memory_space<vmem>> -> memref<128xi32, #tpu.memory_space<vmem>>
    %dma_start3A_11 = arith.constant 0 : i32
    %dma_start3A_12 = arith.constant 0 : i32
    %dma_start3A_13 = tpu.memref_slice %arg2[%dma_start3A_11, %dma_start3A_12] : memref<1000000x32xf32, #tpu.memory_space<hbm>> -> memref<1000000x32xf32, #tpu.memory_space<hbm>>
    tpu.enqueue_indirect_dma source(%dma_start3A_13 : memref<1000000x32xf32, #tpu.memory_space<hbm>>) target(%dma_start3A_7 : memref<128x32xf32, #tpu.memory_space<vmem>>) offsets(%dma_start3A_10 : memref<128xi32, #tpu.memory_space<vmem>>) semaphore(%arg7 : memref<!tpu.dma_semaphore, #tpu.memory_space<semaphore_mem>>)
    %dma_start3A_14 = arith.constant 1 : i32
    %dma_start3A_15 = arith.constant 1 : i32
    %dma_start3A_16 = arith.constant 0 : i32
    %dma_start3A_17 = arith.constant 0 : i32
    %dma_start3A_18 = tpu.memref_slice %arg6[%dma_start3A_15, %dma_start3A_16, %dma_start3A_17] : memref<4x128x32xf32, #tpu.memory_space<vmem>> -> memref<1x128x32xf32, #tpu.memory_space<vmem>>
    %dma_start3A_19 = tpu.memref_squeeze %dma_start3A_18 : memref<1x128x32xf32, #tpu.memory_space<vmem>> -> memref<128x32xf32, #tpu.memory_space<vmem>>
    %dma_start3A_20 = arith.constant 0 : i32
    %dma_start3A_21 = tpu.memref_slice %arg5[%dma_start3A_14, %dma_start3A_20] : memref<4x128xi32, #tpu.memory_space<vmem>> -> memref<1x128xi32, #tpu.memory_space<vmem>>
    %dma_start3A_22 = tpu.memref_squeeze %dma_start3A_21 : memref<1x128xi32, #tpu.memory_space<vmem>> -> memref<128xi32, #tpu.memory_space<vmem>>
    %dma_start3A_23 = arith.constant 0 : i32
    %dma_start3A_24 = arith.constant 0 : i32
    %dma_start3A_25 = tpu.memref_slice %arg2[%dma_start3A_23, %dma_start3A_24] : memref<1000000x32xf32, #tpu.memory_space<hbm>> -> memref<1000000x32xf32, #tpu.memory_space<hbm>>
    tpu.enqueue_indirect_dma source(%dma_start3A_25 : memref<1000000x32xf32, #tpu.memory_space<hbm>>) target(%dma_start3A_19 : memref<128x32xf32, #tpu.memory_space<vmem>>) offsets(%dma_start3A_22 : memref<128xi32, #tpu.memory_space<vmem>>) semaphore(%arg7 : memref<!tpu.dma_semaphore, #tpu.memory_space<semaphore_mem>>)
    %dma_start3A_26 = arith.constant 2 : i32
    %dma_start3A_27 = arith.constant 2 : i32
    %dma_start3A_28 = arith.constant 0 : i32
    %dma_start3A_29 = arith.constant 0 : i32
    %dma_start3A_30 = tpu.memref_slice %arg6[%dma_start3A_27, %dma_start3A_28, %dma_start3A_29] : memref<4x128x32xf32, #tpu.memory_space<vmem>> -> memref<1x128x32xf32, #tpu.memory_space<vmem>>
    %dma_start3A_31 = tpu.memref_squeeze %dma_start3A_30 : memref<1x128x32xf32, #tpu.memory_space<vmem>> -> memref<128x32xf32, #tpu.memory_space<vmem>>
    %dma_start3A_32 = arith.constant 0 : i32
    %dma_start3A_33 = tpu.memref_slice %arg5[%dma_start3A_26, %dma_start3A_32] : memref<4x128xi32, #tpu.memory_space<vmem>> -> memref<1x128xi32, #tpu.memory_space<vmem>>
    %dma_start3A_34 = tpu.memref_squeeze %dma_start3A_33 : memref<1x128xi32, #tpu.memory_space<vmem>> -> memref<128xi32, #tpu.memory_space<vmem>>
    %dma_start3A_35 = arith.constant 0 : i32
    %dma_start3A_36 = arith.constant 0 : i32
    %dma_start3A_37 = tpu.memref_slice %arg2[%dma_start3A_35, %dma_start3A_36] : memref<1000000x32xf32, #tpu.memory_space<hbm>> -> memref<1000000x32xf32, #tpu.memory_space<hbm>>
    tpu.enqueue_indirect_dma source(%dma_start3A_37 : memref<1000000x32xf32, #tpu.memory_space<hbm>>) target(%dma_start3A_31 : memref<128x32xf32, #tpu.memory_space<vmem>>) offsets(%dma_start3A_34 : memref<128xi32, #tpu.memory_space<vmem>>) semaphore(%arg7 : memref<!tpu.dma_semaphore, #tpu.memory_space<semaphore_mem>>)
    %dma_start3A_38 = arith.constant 3 : i32
    %dma_start3A_39 = arith.constant 3 : i32
    %dma_start3A_40 = arith.constant 0 : i32
    %dma_start3A_41 = arith.constant 0 : i32
    %dma_start3A_42 = tpu.memref_slice %arg6[%dma_start3A_39, %dma_start3A_40, %dma_start3A_41] : memref<4x128x32xf32, #tpu.memory_space<vmem>> -> memref<1x128x32xf32, #tpu.memory_space<vmem>>
    %dma_start3A_43 = tpu.memref_squeeze %dma_start3A_42 : memref<1x128x32xf32, #tpu.memory_space<vmem>> -> memref<128x32xf32, #tpu.memory_space<vmem>>
    %dma_start3A_44 = arith.constant 0 : i32
    %dma_start3A_45 = tpu.memref_slice %arg5[%dma_start3A_38, %dma_start3A_44] : memref<4x128xi32, #tpu.memory_space<vmem>> -> memref<1x128xi32, #tpu.memory_space<vmem>>
    %dma_start3A_46 = tpu.memref_squeeze %dma_start3A_45 : memref<1x128xi32, #tpu.memory_space<vmem>> -> memref<128xi32, #tpu.memory_space<vmem>>
    %dma_start3A_47 = arith.constant 0 : i32
    %dma_start3A_48 = arith.constant 0 : i32
    %dma_start3A_49 = tpu.memref_slice %arg2[%dma_start3A_47, %dma_start3A_48] : memref<1000000x32xf32, #tpu.memory_space<hbm>> -> memref<1000000x32xf32, #tpu.memory_space<hbm>>
    tpu.enqueue_indirect_dma source(%dma_start3A_49 : memref<1000000x32xf32, #tpu.memory_space<hbm>>) target(%dma_start3A_43 : memref<128x32xf32, #tpu.memory_space<vmem>>) offsets(%dma_start3A_46 : memref<128xi32, #tpu.memory_space<vmem>>) semaphore(%arg7 : memref<!tpu.dma_semaphore, #tpu.memory_space<semaphore_mem>>)
    %dma_wait3A = arith.constant 0 : i32
    %dma_wait3A_50 = arith.constant 0 : i32
    %dma_wait3A_51 = arith.constant 0 : i32
    %dma_wait3A_52 = arith.constant 0 : i32
    %dma_wait3A_53 = tpu.memref_slice %arg6[%dma_wait3A_50, %dma_wait3A_51, %dma_wait3A_52] : memref<4x128x32xf32, #tpu.memory_space<vmem>> -> memref<1x128x32xf32, #tpu.memory_space<vmem>>
    %dma_wait3A_54 = tpu.memref_squeeze %dma_wait3A_53 : memref<1x128x32xf32, #tpu.memory_space<vmem>> -> memref<128x32xf32, #tpu.memory_space<vmem>>
    %dma_wait3A_55 = arith.constant 0 : i32
    %dma_wait3A_56 = tpu.memref_slice %arg5[%dma_wait3A, %dma_wait3A_55] : memref<4x128xi32, #tpu.memory_space<vmem>> -> memref<1x128xi32, #tpu.memory_space<vmem>>
    %dma_wait3A_57 = tpu.memref_squeeze %dma_wait3A_56 : memref<1x128xi32, #tpu.memory_space<vmem>> -> memref<128xi32, #tpu.memory_space<vmem>>
    %dma_wait3A_58 = arith.constant 0 : i32
    %dma_wait3A_59 = arith.constant 0 : i32
    %dma_wait3A_60 = tpu.memref_slice %arg2[%dma_wait3A_58, %dma_wait3A_59] : memref<1000000x32xf32, #tpu.memory_space<hbm>> -> memref<1000000x32xf32, #tpu.memory_space<hbm>>
    tpu.wait_indirect_dma semaphore(%arg7 : memref<!tpu.dma_semaphore, #tpu.memory_space<semaphore_mem>>) src(%dma_wait3A_60 : memref<1000000x32xf32, #tpu.memory_space<hbm>>) dst(%dma_wait3A_54 : memref<128x32xf32, #tpu.memory_space<vmem>>)
    %dma_wait3A_61 = arith.constant 1 : i32
    %dma_wait3A_62 = arith.constant 1 : i32
    %dma_wait3A_63 = arith.constant 0 : i32
    %dma_wait3A_64 = arith.constant 0 : i32
    %dma_wait3A_65 = tpu.memref_slice %arg6[%dma_wait3A_62, %dma_wait3A_63, %dma_wait3A_64] : memref<4x128x32xf32, #tpu.memory_space<vmem>> -> memref<1x128x32xf32, #tpu.memory_space<vmem>>
    %dma_wait3A_66 = tpu.memref_squeeze %dma_wait3A_65 : memref<1x128x32xf32, #tpu.memory_space<vmem>> -> memref<128x32xf32, #tpu.memory_space<vmem>>
    %dma_wait3A_67 = arith.constant 0 : i32
    %dma_wait3A_68 = tpu.memref_slice %arg5[%dma_wait3A_61, %dma_wait3A_67] : memref<4x128xi32, #tpu.memory_space<vmem>> -> memref<1x128xi32, #tpu.memory_space<vmem>>
    %dma_wait3A_69 = tpu.memref_squeeze %dma_wait3A_68 : memref<1x128xi32, #tpu.memory_space<vmem>> -> memref<128xi32, #tpu.memory_space<vmem>>
    %dma_wait3A_70 = arith.constant 0 : i32
    %dma_wait3A_71 = arith.constant 0 : i32
    %dma_wait3A_72 = tpu.memref_slice %arg2[%dma_wait3A_70, %dma_wait3A_71] : memref<1000000x32xf32, #tpu.memory_space<hbm>> -> memref<1000000x32xf32, #tpu.memory_space<hbm>>
    tpu.wait_indirect_dma semaphore(%arg7 : memref<!tpu.dma_semaphore, #tpu.memory_space<semaphore_mem>>) src(%dma_wait3A_72 : memref<1000000x32xf32, #tpu.memory_space<hbm>>) dst(%dma_wait3A_66 : memref<128x32xf32, #tpu.memory_space<vmem>>)
    %dma_wait3A_73 = arith.constant 2 : i32
    %dma_wait3A_74 = arith.constant 2 : i32
    %dma_wait3A_75 = arith.constant 0 : i32
    %dma_wait3A_76 = arith.constant 0 : i32
    %dma_wait3A_77 = tpu.memref_slice %arg6[%dma_wait3A_74, %dma_wait3A_75, %dma_wait3A_76] : memref<4x128x32xf32, #tpu.memory_space<vmem>> -> memref<1x128x32xf32, #tpu.memory_space<vmem>>
    %dma_wait3A_78 = tpu.memref_squeeze %dma_wait3A_77 : memref<1x128x32xf32, #tpu.memory_space<vmem>> -> memref<128x32xf32, #tpu.memory_space<vmem>>
    %dma_wait3A_79 = arith.constant 0 : i32
    %dma_wait3A_80 = tpu.memref_slice %arg5[%dma_wait3A_73, %dma_wait3A_79] : memref<4x128xi32, #tpu.memory_space<vmem>> -> memref<1x128xi32, #tpu.memory_space<vmem>>
    %dma_wait3A_81 = tpu.memref_squeeze %dma_wait3A_80 : memref<1x128xi32, #tpu.memory_space<vmem>> -> memref<128xi32, #tpu.memory_space<vmem>>
    %dma_wait3A_82 = arith.constant 0 : i32
    %dma_wait3A_83 = arith.constant 0 : i32
    %dma_wait3A_84 = tpu.memref_slice %arg2[%dma_wait3A_82, %dma_wait3A_83] : memref<1000000x32xf32, #tpu.memory_space<hbm>> -> memref<1000000x32xf32, #tpu.memory_space<hbm>>
    tpu.wait_indirect_dma semaphore(%arg7 : memref<!tpu.dma_semaphore, #tpu.memory_space<semaphore_mem>>) src(%dma_wait3A_84 : memref<1000000x32xf32, #tpu.memory_space<hbm>>) dst(%dma_wait3A_78 : memref<128x32xf32, #tpu.memory_space<vmem>>)
    %dma_wait3A_85 = arith.constant 3 : i32
    %dma_wait3A_86 = arith.constant 3 : i32
    %dma_wait3A_87 = arith.constant 0 : i32
    %dma_wait3A_88 = arith.constant 0 : i32
    %dma_wait3A_89 = tpu.memref_slice %arg6[%dma_wait3A_86, %dma_wait3A_87, %dma_wait3A_88] : memref<4x128x32xf32, #tpu.memory_space<vmem>> -> memref<1x128x32xf32, #tpu.memory_space<vmem>>
    %dma_wait3A_90 = tpu.memref_squeeze %dma_wait3A_89 : memref<1x128x32xf32, #tpu.memory_space<vmem>> -> memref<128x32xf32, #tpu.memory_space<vmem>>
    %dma_wait3A_91 = arith.constant 0 : i32
    %dma_wait3A_92 = tpu.memref_slice %arg5[%dma_wait3A_85, %dma_wait3A_91] : memref<4x128xi32, #tpu.memory_space<vmem>> -> memref<1x128xi32, #tpu.memory_space<vmem>>
    %dma_wait3A_93 = tpu.memref_squeeze %dma_wait3A_92 : memref<1x128xi32, #tpu.memory_space<vmem>> -> memref<128xi32, #tpu.memory_space<vmem>>
    %dma_wait3A_94 = arith.constant 0 : i32
    %dma_wait3A_95 = arith.constant 0 : i32
    %dma_wait3A_96 = tpu.memref_slice %arg2[%dma_wait3A_94, %dma_wait3A_95] : memref<1000000x32xf32, #tpu.memory_space<hbm>> -> memref<1000000x32xf32, #tpu.memory_space<hbm>>
    tpu.wait_indirect_dma semaphore(%arg7 : memref<!tpu.dma_semaphore, #tpu.memory_space<semaphore_mem>>) src(%dma_wait3A_96 : memref<1000000x32xf32, #tpu.memory_space<hbm>>) dst(%dma_wait3A_90 : memref<128x32xf32, #tpu.memory_space<vmem>>)
    %mul3A_97 = arith.constant 4 : i32
    %mul3A_98 = arith.muli %add3A, %mul3A_97 : i32
    "tpu.region"() ({
      %run_scoped3A = tpu.sem_alloc : memref<!tpu.dma_semaphore, #tpu.memory_space<semaphore_mem>>
      %dma_start3A_99 = arith.constant 0 : i32
      %dma_start3A_100 = arith.constant 0 : i32
      %dma_start3A_101 = tpu.memref_slice %arg4[%mul3A_98, %dma_start3A_99, %dma_start3A_100] : memref<128x128x32xf32, #tpu.memory_space<hbm>> -> memref<4x128x32xf32, #tpu.memory_space<hbm>>
      %dma_start3A_102 = arith.constant 0 : i32
      %dma_start3A_103 = arith.constant 0 : i32
      %dma_start3A_104 = tpu.memref_slice %arg4[%mul3A_98, %dma_start3A_102, %dma_start3A_103] : memref<128x128x32xf32, #tpu.memory_space<hbm>> -> memref<4x128x32xf32, #tpu.memory_space<hbm>>
      tpu.enqueue_dma source(%arg6 : memref<4x128x32xf32, #tpu.memory_space<vmem>>) target(%dma_start3A_104 : memref<4x128x32xf32, #tpu.memory_space<hbm>>) target_semaphore(%run_scoped3A : memref<!tpu.dma_semaphore, #tpu.memory_space<semaphore_mem>>)
      %dma_wait3A_105 = arith.constant 0 : i32
      %dma_wait3A_106 = arith.constant 0 : i32
      %dma_wait3A_107 = tpu.memref_slice %arg4[%mul3A_98, %dma_wait3A_105, %dma_wait3A_106] : memref<128x128x32xf32, #tpu.memory_space<hbm>> -> memref<4x128x32xf32, #tpu.memory_space<hbm>>
      %dma_wait3A_108 = arith.constant 0 : i32
      %dma_wait3A_109 = arith.constant 0 : i32
      %dma_wait3A_110 = tpu.memref_slice %arg4[%mul3A_98, %dma_wait3A_108, %dma_wait3A_109] : memref<128x128x32xf32, #tpu.memory_space<hbm>> -> memref<4x128x32xf32, #tpu.memory_space<hbm>>
      tpu.wait_dma2 semaphore(%run_scoped3A : memref<!tpu.dma_semaphore, #tpu.memory_space<semaphore_mem>>) src(%arg6 : memref<4x128x32xf32, #tpu.memory_space<vmem>>) dst(%dma_wait3A_110 : memref<4x128x32xf32, #tpu.memory_space<hbm>>)
      tpu.yield
    }) : () -> ()
    return
  }
}

module attributes {stable_mosaic.version = 14 : i64} {
  func.func @_tc_dense_body(%arg0: memref<10xi32, #tpu.memory_space<smem>>, %arg1: memref<32x1000000xf32, #tpu.memory_space<any>>, %arg2: memref<16384x32xf32, #tpu.memory_space<vmem>>, %arg3: memref<320x32xf32, #tpu.memory_space<vmem>>, %arg4: memref<32x32xf32, #tpu.memory_space<vmem>>, %arg5: memref<16384x1xf32, #tpu.memory_space<vmem>>, %arg6: memref<10x32x128xf32, #tpu.memory_space<vmem>>, %arg7: memref<!tpu.dma_semaphore, #tpu.memory_space<semaphore_mem>>) attributes {dimension_semantics = [], scalar_prefetch = 0 : i64, scratch_operands = 2 : i64, tpu.core_type = #tpu.core_type<tc>} {
    %get3A = arith.constant 0 : index
    %get3A_0 = memref.load %arg0[%get3A] : memref<10xi32, #tpu.memory_space<smem>>
    %jit3A = arith.constant 128 : i32
    %div3A = arith.divsi %get3A_0, %jit3A : i32
    %sign3A = arith.constant 0 : i32
    %sign3A_1 = arith.cmpi sgt, %get3A_0, %sign3A : i32
    %sign3A_2 = arith.extui %sign3A_1 : i1 to i32
    %sign3A_3 = arith.constant 0 : i32
    %sign3A_4 = arith.cmpi slt, %get3A_0, %sign3A_3 : i32
    %sign3A_5 = arith.extui %sign3A_4 : i1 to i32
    %sign3A_6 = arith.subi %sign3A_2, %sign3A_5 : i32
    %sign3A_7 = arith.constant 0 : i32
    %sign3A_8 = arith.cmpi sgt, %jit3A, %sign3A_7 : i32
    %sign3A_9 = arith.extui %sign3A_8 : i1 to i32
    %sign3A_10 = arith.constant 0 : i32
    %sign3A_11 = arith.cmpi slt, %jit3A, %sign3A_10 : i32
    %sign3A_12 = arith.extui %sign3A_11 : i1 to i32
    %sign3A_13 = arith.subi %sign3A_9, %sign3A_12 : i32
    %ne3A = arith.cmpi ne, %sign3A_6, %sign3A_13 : i32
    %rem3A = arith.remsi %get3A_0, %jit3A : i32
    %ne3A_14 = arith.constant 0 : i32
    %ne3A_15 = arith.cmpi ne, %rem3A, %ne3A_14 : i32
    %and3A = arith.andi %ne3A, %ne3A_15 : i1
    %sub3A = arith.constant 1 : i32
    %sub3A_16 = arith.subi %div3A, %sub3A : i32
    %select_n3A = arith.select %and3A, %sub3A_16, %div3A : i32
    %mul3A = arith.constant 128 : i32
    %mul3A_17 = arith.muli %select_n3A, %mul3A : i32
    %dma_start3A = arith.constant 0 : i32
    %dma_start3A_18 = arith.constant 0 : i32
    %dma_start3A_19 = arith.constant 0 : i32
    %dma_start3A_20 = tpu.memref_slice %arg6[%dma_start3A, %dma_start3A_18, %dma_start3A_19] : memref<10x32x128xf32, #tpu.memory_space<vmem>> -> memref<1x32x128xf32, #tpu.memory_space<vmem>>
    %dma_start3A_21 = tpu.memref_squeeze %dma_start3A_20 : memref<1x32x128xf32, #tpu.memory_space<vmem>> -> memref<32x128xf32, #tpu.memory_space<vmem>>
    %dma_start3A_22 = arith.constant 0 : i32
    %dma_start3A_23 = tpu.memref_slice %arg1[%dma_start3A_22, %mul3A_17] : memref<32x1000000xf32, #tpu.memory_space<any>> -> memref<32x128xf32, #tpu.memory_space<any>>
    tpu.enqueue_dma source(%dma_start3A_23 : memref<32x128xf32, #tpu.memory_space<any>>) target(%dma_start3A_21 : memref<32x128xf32, #tpu.memory_space<vmem>>) target_semaphore(%arg7 : memref<!tpu.dma_semaphore, #tpu.memory_space<semaphore_mem>>)
    %get3A_24 = arith.constant 1 : index
    %get3A_25 = memref.load %arg0[%get3A_24] : memref<10xi32, #tpu.memory_space<smem>>
    %jit3A_26 = arith.constant 128 : i32
    %div3A_27 = arith.divsi %get3A_25, %jit3A_26 : i32
    %sign3A_28 = arith.constant 0 : i32
    %sign3A_29 = arith.cmpi sgt, %get3A_25, %sign3A_28 : i32
    %sign3A_30 = arith.extui %sign3A_29 : i1 to i32
    %sign3A_31 = arith.constant 0 : i32
    %sign3A_32 = arith.cmpi slt, %get3A_25, %sign3A_31 : i32
    %sign3A_33 = arith.extui %sign3A_32 : i1 to i32
    %sign3A_34 = arith.subi %sign3A_30, %sign3A_33 : i32
    %sign3A_35 = arith.constant 0 : i32
    %sign3A_36 = arith.cmpi sgt, %jit3A_26, %sign3A_35 : i32
    %sign3A_37 = arith.extui %sign3A_36 : i1 to i32
    %sign3A_38 = arith.constant 0 : i32
    %sign3A_39 = arith.cmpi slt, %jit3A_26, %sign3A_38 : i32
    %sign3A_40 = arith.extui %sign3A_39 : i1 to i32
    %sign3A_41 = arith.subi %sign3A_37, %sign3A_40 : i32
    %ne3A_42 = arith.cmpi ne, %sign3A_34, %sign3A_41 : i32
    %rem3A_43 = arith.remsi %get3A_25, %jit3A_26 : i32
    %ne3A_44 = arith.constant 0 : i32
    %ne3A_45 = arith.cmpi ne, %rem3A_43, %ne3A_44 : i32
    %and3A_46 = arith.andi %ne3A_42, %ne3A_45 : i1
    %sub3A_47 = arith.constant 1 : i32
    %sub3A_48 = arith.subi %div3A_27, %sub3A_47 : i32
    %select_n3A_49 = arith.select %and3A_46, %sub3A_48, %div3A_27 : i32
    %mul3A_50 = arith.constant 128 : i32
    %mul3A_51 = arith.muli %select_n3A_49, %mul3A_50 : i32
    %dma_start3A_52 = arith.constant 1 : i32
    %dma_start3A_53 = arith.constant 0 : i32
    %dma_start3A_54 = arith.constant 0 : i32
    %dma_start3A_55 = tpu.memref_slice %arg6[%dma_start3A_52, %dma_start3A_53, %dma_start3A_54] : memref<10x32x128xf32, #tpu.memory_space<vmem>> -> memref<1x32x128xf32, #tpu.memory_space<vmem>>
    %dma_start3A_56 = tpu.memref_squeeze %dma_start3A_55 : memref<1x32x128xf32, #tpu.memory_space<vmem>> -> memref<32x128xf32, #tpu.memory_space<vmem>>
    %dma_start3A_57 = arith.constant 0 : i32
    %dma_start3A_58 = tpu.memref_slice %arg1[%dma_start3A_57, %mul3A_51] : memref<32x1000000xf32, #tpu.memory_space<any>> -> memref<32x128xf32, #tpu.memory_space<any>>
    tpu.enqueue_dma source(%dma_start3A_58 : memref<32x128xf32, #tpu.memory_space<any>>) target(%dma_start3A_56 : memref<32x128xf32, #tpu.memory_space<vmem>>) target_semaphore(%arg7 : memref<!tpu.dma_semaphore, #tpu.memory_space<semaphore_mem>>)
    %get3A_59 = arith.constant 2 : index
    %get3A_60 = memref.load %arg0[%get3A_59] : memref<10xi32, #tpu.memory_space<smem>>
    %jit3A_61 = arith.constant 128 : i32
    %div3A_62 = arith.divsi %get3A_60, %jit3A_61 : i32
    %sign3A_63 = arith.constant 0 : i32
    %sign3A_64 = arith.cmpi sgt, %get3A_60, %sign3A_63 : i32
    %sign3A_65 = arith.extui %sign3A_64 : i1 to i32
    %sign3A_66 = arith.constant 0 : i32
    %sign3A_67 = arith.cmpi slt, %get3A_60, %sign3A_66 : i32
    %sign3A_68 = arith.extui %sign3A_67 : i1 to i32
    %sign3A_69 = arith.subi %sign3A_65, %sign3A_68 : i32
    %sign3A_70 = arith.constant 0 : i32
    %sign3A_71 = arith.cmpi sgt, %jit3A_61, %sign3A_70 : i32
    %sign3A_72 = arith.extui %sign3A_71 : i1 to i32
    %sign3A_73 = arith.constant 0 : i32
    %sign3A_74 = arith.cmpi slt, %jit3A_61, %sign3A_73 : i32
    %sign3A_75 = arith.extui %sign3A_74 : i1 to i32
    %sign3A_76 = arith.subi %sign3A_72, %sign3A_75 : i32
    %ne3A_77 = arith.cmpi ne, %sign3A_69, %sign3A_76 : i32
    %rem3A_78 = arith.remsi %get3A_60, %jit3A_61 : i32
    %ne3A_79 = arith.constant 0 : i32
    %ne3A_80 = arith.cmpi ne, %rem3A_78, %ne3A_79 : i32
    %and3A_81 = arith.andi %ne3A_77, %ne3A_80 : i1
    %sub3A_82 = arith.constant 1 : i32
    %sub3A_83 = arith.subi %div3A_62, %sub3A_82 : i32
    %select_n3A_84 = arith.select %and3A_81, %sub3A_83, %div3A_62 : i32
    %mul3A_85 = arith.constant 128 : i32
    %mul3A_86 = arith.muli %select_n3A_84, %mul3A_85 : i32
    %dma_start3A_87 = arith.constant 2 : i32
    %dma_start3A_88 = arith.constant 0 : i32
    %dma_start3A_89 = arith.constant 0 : i32
    %dma_start3A_90 = tpu.memref_slice %arg6[%dma_start3A_87, %dma_start3A_88, %dma_start3A_89] : memref<10x32x128xf32, #tpu.memory_space<vmem>> -> memref<1x32x128xf32, #tpu.memory_space<vmem>>
    %dma_start3A_91 = tpu.memref_squeeze %dma_start3A_90 : memref<1x32x128xf32, #tpu.memory_space<vmem>> -> memref<32x128xf32, #tpu.memory_space<vmem>>
    %dma_start3A_92 = arith.constant 0 : i32
    %dma_start3A_93 = tpu.memref_slice %arg1[%dma_start3A_92, %mul3A_86] : memref<32x1000000xf32, #tpu.memory_space<any>> -> memref<32x128xf32, #tpu.memory_space<any>>
    tpu.enqueue_dma source(%dma_start3A_93 : memref<32x128xf32, #tpu.memory_space<any>>) target(%dma_start3A_91 : memref<32x128xf32, #tpu.memory_space<vmem>>) target_semaphore(%arg7 : memref<!tpu.dma_semaphore, #tpu.memory_space<semaphore_mem>>)
    %get3A_94 = arith.constant 3 : index
    %get3A_95 = memref.load %arg0[%get3A_94] : memref<10xi32, #tpu.memory_space<smem>>
    %jit3A_96 = arith.constant 128 : i32
    %div3A_97 = arith.divsi %get3A_95, %jit3A_96 : i32
    %sign3A_98 = arith.constant 0 : i32
    %sign3A_99 = arith.cmpi sgt, %get3A_95, %sign3A_98 : i32
    %sign3A_100 = arith.extui %sign3A_99 : i1 to i32
    %sign3A_101 = arith.constant 0 : i32
    %sign3A_102 = arith.cmpi slt, %get3A_95, %sign3A_101 : i32
    %sign3A_103 = arith.extui %sign3A_102 : i1 to i32
    %sign3A_104 = arith.subi %sign3A_100, %sign3A_103 : i32
    %sign3A_105 = arith.constant 0 : i32
    %sign3A_106 = arith.cmpi sgt, %jit3A_96, %sign3A_105 : i32
    %sign3A_107 = arith.extui %sign3A_106 : i1 to i32
    %sign3A_108 = arith.constant 0 : i32
    %sign3A_109 = arith.cmpi slt, %jit3A_96, %sign3A_108 : i32
    %sign3A_110 = arith.extui %sign3A_109 : i1 to i32
    %sign3A_111 = arith.subi %sign3A_107, %sign3A_110 : i32
    %ne3A_112 = arith.cmpi ne, %sign3A_104, %sign3A_111 : i32
    %rem3A_113 = arith.remsi %get3A_95, %jit3A_96 : i32
    %ne3A_114 = arith.constant 0 : i32
    %ne3A_115 = arith.cmpi ne, %rem3A_113, %ne3A_114 : i32
    %and3A_116 = arith.andi %ne3A_112, %ne3A_115 : i1
    %sub3A_117 = arith.constant 1 : i32
    %sub3A_118 = arith.subi %div3A_97, %sub3A_117 : i32
    %select_n3A_119 = arith.select %and3A_116, %sub3A_118, %div3A_97 : i32
    %mul3A_120 = arith.constant 128 : i32
    %mul3A_121 = arith.muli %select_n3A_119, %mul3A_120 : i32
    %dma_start3A_122 = arith.constant 3 : i32
    %dma_start3A_123 = arith.constant 0 : i32
    %dma_start3A_124 = arith.constant 0 : i32
    %dma_start3A_125 = tpu.memref_slice %arg6[%dma_start3A_122, %dma_start3A_123, %dma_start3A_124] : memref<10x32x128xf32, #tpu.memory_space<vmem>> -> memref<1x32x128xf32, #tpu.memory_space<vmem>>
    %dma_start3A_126 = tpu.memref_squeeze %dma_start3A_125 : memref<1x32x128xf32, #tpu.memory_space<vmem>> -> memref<32x128xf32, #tpu.memory_space<vmem>>
    %dma_start3A_127 = arith.constant 0 : i32
    %dma_start3A_128 = tpu.memref_slice %arg1[%dma_start3A_127, %mul3A_121] : memref<32x1000000xf32, #tpu.memory_space<any>> -> memref<32x128xf32, #tpu.memory_space<any>>
    tpu.enqueue_dma source(%dma_start3A_128 : memref<32x128xf32, #tpu.memory_space<any>>) target(%dma_start3A_126 : memref<32x128xf32, #tpu.memory_space<vmem>>) target_semaphore(%arg7 : memref<!tpu.dma_semaphore, #tpu.memory_space<semaphore_mem>>)
    %get3A_129 = arith.constant 4 : index
    %get3A_130 = memref.load %arg0[%get3A_129] : memref<10xi32, #tpu.memory_space<smem>>
    %jit3A_131 = arith.constant 128 : i32
    %div3A_132 = arith.divsi %get3A_130, %jit3A_131 : i32
    %sign3A_133 = arith.constant 0 : i32
    %sign3A_134 = arith.cmpi sgt, %get3A_130, %sign3A_133 : i32
    %sign3A_135 = arith.extui %sign3A_134 : i1 to i32
    %sign3A_136 = arith.constant 0 : i32
    %sign3A_137 = arith.cmpi slt, %get3A_130, %sign3A_136 : i32
    %sign3A_138 = arith.extui %sign3A_137 : i1 to i32
    %sign3A_139 = arith.subi %sign3A_135, %sign3A_138 : i32
    %sign3A_140 = arith.constant 0 : i32
    %sign3A_141 = arith.cmpi sgt, %jit3A_131, %sign3A_140 : i32
    %sign3A_142 = arith.extui %sign3A_141 : i1 to i32
    %sign3A_143 = arith.constant 0 : i32
    %sign3A_144 = arith.cmpi slt, %jit3A_131, %sign3A_143 : i32
    %sign3A_145 = arith.extui %sign3A_144 : i1 to i32
    %sign3A_146 = arith.subi %sign3A_142, %sign3A_145 : i32
    %ne3A_147 = arith.cmpi ne, %sign3A_139, %sign3A_146 : i32
    %rem3A_148 = arith.remsi %get3A_130, %jit3A_131 : i32
    %ne3A_149 = arith.constant 0 : i32
    %ne3A_150 = arith.cmpi ne, %rem3A_148, %ne3A_149 : i32
    %and3A_151 = arith.andi %ne3A_147, %ne3A_150 : i1
    %sub3A_152 = arith.constant 1 : i32
    %sub3A_153 = arith.subi %div3A_132, %sub3A_152 : i32
    %select_n3A_154 = arith.select %and3A_151, %sub3A_153, %div3A_132 : i32
    %mul3A_155 = arith.constant 128 : i32
    %mul3A_156 = arith.muli %select_n3A_154, %mul3A_155 : i32
    %dma_start3A_157 = arith.constant 4 : i32
    %dma_start3A_158 = arith.constant 0 : i32
    %dma_start3A_159 = arith.constant 0 : i32
    %dma_start3A_160 = tpu.memref_slice %arg6[%dma_start3A_157, %dma_start3A_158, %dma_start3A_159] : memref<10x32x128xf32, #tpu.memory_space<vmem>> -> memref<1x32x128xf32, #tpu.memory_space<vmem>>
    %dma_start3A_161 = tpu.memref_squeeze %dma_start3A_160 : memref<1x32x128xf32, #tpu.memory_space<vmem>> -> memref<32x128xf32, #tpu.memory_space<vmem>>
    %dma_start3A_162 = arith.constant 0 : i32
    %dma_start3A_163 = tpu.memref_slice %arg1[%dma_start3A_162, %mul3A_156] : memref<32x1000000xf32, #tpu.memory_space<any>> -> memref<32x128xf32, #tpu.memory_space<any>>
    tpu.enqueue_dma source(%dma_start3A_163 : memref<32x128xf32, #tpu.memory_space<any>>) target(%dma_start3A_161 : memref<32x128xf32, #tpu.memory_space<vmem>>) target_semaphore(%arg7 : memref<!tpu.dma_semaphore, #tpu.memory_space<semaphore_mem>>)
    %get3A_164 = arith.constant 5 : index
    %get3A_165 = memref.load %arg0[%get3A_164] : memref<10xi32, #tpu.memory_space<smem>>
    %jit3A_166 = arith.constant 128 : i32
    %div3A_167 = arith.divsi %get3A_165, %jit3A_166 : i32
    %sign3A_168 = arith.constant 0 : i32
    %sign3A_169 = arith.cmpi sgt, %get3A_165, %sign3A_168 : i32
    %sign3A_170 = arith.extui %sign3A_169 : i1 to i32
    %sign3A_171 = arith.constant 0 : i32
    %sign3A_172 = arith.cmpi slt, %get3A_165, %sign3A_171 : i32
    %sign3A_173 = arith.extui %sign3A_172 : i1 to i32
    %sign3A_174 = arith.subi %sign3A_170, %sign3A_173 : i32
    %sign3A_175 = arith.constant 0 : i32
    %sign3A_176 = arith.cmpi sgt, %jit3A_166, %sign3A_175 : i32
    %sign3A_177 = arith.extui %sign3A_176 : i1 to i32
    %sign3A_178 = arith.constant 0 : i32
    %sign3A_179 = arith.cmpi slt, %jit3A_166, %sign3A_178 : i32
    %sign3A_180 = arith.extui %sign3A_179 : i1 to i32
    %sign3A_181 = arith.subi %sign3A_177, %sign3A_180 : i32
    %ne3A_182 = arith.cmpi ne, %sign3A_174, %sign3A_181 : i32
    %rem3A_183 = arith.remsi %get3A_165, %jit3A_166 : i32
    %ne3A_184 = arith.constant 0 : i32
    %ne3A_185 = arith.cmpi ne, %rem3A_183, %ne3A_184 : i32
    %and3A_186 = arith.andi %ne3A_182, %ne3A_185 : i1
    %sub3A_187 = arith.constant 1 : i32
    %sub3A_188 = arith.subi %div3A_167, %sub3A_187 : i32
    %select_n3A_189 = arith.select %and3A_186, %sub3A_188, %div3A_167 : i32
    %mul3A_190 = arith.constant 128 : i32
    %mul3A_191 = arith.muli %select_n3A_189, %mul3A_190 : i32
    %dma_start3A_192 = arith.constant 5 : i32
    %dma_start3A_193 = arith.constant 0 : i32
    %dma_start3A_194 = arith.constant 0 : i32
    %dma_start3A_195 = tpu.memref_slice %arg6[%dma_start3A_192, %dma_start3A_193, %dma_start3A_194] : memref<10x32x128xf32, #tpu.memory_space<vmem>> -> memref<1x32x128xf32, #tpu.memory_space<vmem>>
    %dma_start3A_196 = tpu.memref_squeeze %dma_start3A_195 : memref<1x32x128xf32, #tpu.memory_space<vmem>> -> memref<32x128xf32, #tpu.memory_space<vmem>>
    %dma_start3A_197 = arith.constant 0 : i32
    %dma_start3A_198 = tpu.memref_slice %arg1[%dma_start3A_197, %mul3A_191] : memref<32x1000000xf32, #tpu.memory_space<any>> -> memref<32x128xf32, #tpu.memory_space<any>>
    tpu.enqueue_dma source(%dma_start3A_198 : memref<32x128xf32, #tpu.memory_space<any>>) target(%dma_start3A_196 : memref<32x128xf32, #tpu.memory_space<vmem>>) target_semaphore(%arg7 : memref<!tpu.dma_semaphore, #tpu.memory_space<semaphore_mem>>)
    %get3A_199 = arith.constant 6 : index
    %get3A_200 = memref.load %arg0[%get3A_199] : memref<10xi32, #tpu.memory_space<smem>>
    %jit3A_201 = arith.constant 128 : i32
    %div3A_202 = arith.divsi %get3A_200, %jit3A_201 : i32
    %sign3A_203 = arith.constant 0 : i32
    %sign3A_204 = arith.cmpi sgt, %get3A_200, %sign3A_203 : i32
    %sign3A_205 = arith.extui %sign3A_204 : i1 to i32
    %sign3A_206 = arith.constant 0 : i32
    %sign3A_207 = arith.cmpi slt, %get3A_200, %sign3A_206 : i32
    %sign3A_208 = arith.extui %sign3A_207 : i1 to i32
    %sign3A_209 = arith.subi %sign3A_205, %sign3A_208 : i32
    %sign3A_210 = arith.constant 0 : i32
    %sign3A_211 = arith.cmpi sgt, %jit3A_201, %sign3A_210 : i32
    %sign3A_212 = arith.extui %sign3A_211 : i1 to i32
    %sign3A_213 = arith.constant 0 : i32
    %sign3A_214 = arith.cmpi slt, %jit3A_201, %sign3A_213 : i32
    %sign3A_215 = arith.extui %sign3A_214 : i1 to i32
    %sign3A_216 = arith.subi %sign3A_212, %sign3A_215 : i32
    %ne3A_217 = arith.cmpi ne, %sign3A_209, %sign3A_216 : i32
    %rem3A_218 = arith.remsi %get3A_200, %jit3A_201 : i32
    %ne3A_219 = arith.constant 0 : i32
    %ne3A_220 = arith.cmpi ne, %rem3A_218, %ne3A_219 : i32
    %and3A_221 = arith.andi %ne3A_217, %ne3A_220 : i1
    %sub3A_222 = arith.constant 1 : i32
    %sub3A_223 = arith.subi %div3A_202, %sub3A_222 : i32
    %select_n3A_224 = arith.select %and3A_221, %sub3A_223, %div3A_202 : i32
    %mul3A_225 = arith.constant 128 : i32
    %mul3A_226 = arith.muli %select_n3A_224, %mul3A_225 : i32
    %dma_start3A_227 = arith.constant 6 : i32
    %dma_start3A_228 = arith.constant 0 : i32
    %dma_start3A_229 = arith.constant 0 : i32
    %dma_start3A_230 = tpu.memref_slice %arg6[%dma_start3A_227, %dma_start3A_228, %dma_start3A_229] : memref<10x32x128xf32, #tpu.memory_space<vmem>> -> memref<1x32x128xf32, #tpu.memory_space<vmem>>
    %dma_start3A_231 = tpu.memref_squeeze %dma_start3A_230 : memref<1x32x128xf32, #tpu.memory_space<vmem>> -> memref<32x128xf32, #tpu.memory_space<vmem>>
    %dma_start3A_232 = arith.constant 0 : i32
    %dma_start3A_233 = tpu.memref_slice %arg1[%dma_start3A_232, %mul3A_226] : memref<32x1000000xf32, #tpu.memory_space<any>> -> memref<32x128xf32, #tpu.memory_space<any>>
    tpu.enqueue_dma source(%dma_start3A_233 : memref<32x128xf32, #tpu.memory_space<any>>) target(%dma_start3A_231 : memref<32x128xf32, #tpu.memory_space<vmem>>) target_semaphore(%arg7 : memref<!tpu.dma_semaphore, #tpu.memory_space<semaphore_mem>>)
    %get3A_234 = arith.constant 7 : index
    %get3A_235 = memref.load %arg0[%get3A_234] : memref<10xi32, #tpu.memory_space<smem>>
    %jit3A_236 = arith.constant 128 : i32
    %div3A_237 = arith.divsi %get3A_235, %jit3A_236 : i32
    %sign3A_238 = arith.constant 0 : i32
    %sign3A_239 = arith.cmpi sgt, %get3A_235, %sign3A_238 : i32
    %sign3A_240 = arith.extui %sign3A_239 : i1 to i32
    %sign3A_241 = arith.constant 0 : i32
    %sign3A_242 = arith.cmpi slt, %get3A_235, %sign3A_241 : i32
    %sign3A_243 = arith.extui %sign3A_242 : i1 to i32
    %sign3A_244 = arith.subi %sign3A_240, %sign3A_243 : i32
    %sign3A_245 = arith.constant 0 : i32
    %sign3A_246 = arith.cmpi sgt, %jit3A_236, %sign3A_245 : i32
    %sign3A_247 = arith.extui %sign3A_246 : i1 to i32
    %sign3A_248 = arith.constant 0 : i32
    %sign3A_249 = arith.cmpi slt, %jit3A_236, %sign3A_248 : i32
    %sign3A_250 = arith.extui %sign3A_249 : i1 to i32
    %sign3A_251 = arith.subi %sign3A_247, %sign3A_250 : i32
    %ne3A_252 = arith.cmpi ne, %sign3A_244, %sign3A_251 : i32
    %rem3A_253 = arith.remsi %get3A_235, %jit3A_236 : i32
    %ne3A_254 = arith.constant 0 : i32
    %ne3A_255 = arith.cmpi ne, %rem3A_253, %ne3A_254 : i32
    %and3A_256 = arith.andi %ne3A_252, %ne3A_255 : i1
    %sub3A_257 = arith.constant 1 : i32
    %sub3A_258 = arith.subi %div3A_237, %sub3A_257 : i32
    %select_n3A_259 = arith.select %and3A_256, %sub3A_258, %div3A_237 : i32
    %mul3A_260 = arith.constant 128 : i32
    %mul3A_261 = arith.muli %select_n3A_259, %mul3A_260 : i32
    %dma_start3A_262 = arith.constant 7 : i32
    %dma_start3A_263 = arith.constant 0 : i32
    %dma_start3A_264 = arith.constant 0 : i32
    %dma_start3A_265 = tpu.memref_slice %arg6[%dma_start3A_262, %dma_start3A_263, %dma_start3A_264] : memref<10x32x128xf32, #tpu.memory_space<vmem>> -> memref<1x32x128xf32, #tpu.memory_space<vmem>>
    %dma_start3A_266 = tpu.memref_squeeze %dma_start3A_265 : memref<1x32x128xf32, #tpu.memory_space<vmem>> -> memref<32x128xf32, #tpu.memory_space<vmem>>
    %dma_start3A_267 = arith.constant 0 : i32
    %dma_start3A_268 = tpu.memref_slice %arg1[%dma_start3A_267, %mul3A_261] : memref<32x1000000xf32, #tpu.memory_space<any>> -> memref<32x128xf32, #tpu.memory_space<any>>
    tpu.enqueue_dma source(%dma_start3A_268 : memref<32x128xf32, #tpu.memory_space<any>>) target(%dma_start3A_266 : memref<32x128xf32, #tpu.memory_space<vmem>>) target_semaphore(%arg7 : memref<!tpu.dma_semaphore, #tpu.memory_space<semaphore_mem>>)
    %get3A_269 = arith.constant 8 : index
    %get3A_270 = memref.load %arg0[%get3A_269] : memref<10xi32, #tpu.memory_space<smem>>
    %jit3A_271 = arith.constant 128 : i32
    %div3A_272 = arith.divsi %get3A_270, %jit3A_271 : i32
    %sign3A_273 = arith.constant 0 : i32
    %sign3A_274 = arith.cmpi sgt, %get3A_270, %sign3A_273 : i32
    %sign3A_275 = arith.extui %sign3A_274 : i1 to i32
    %sign3A_276 = arith.constant 0 : i32
    %sign3A_277 = arith.cmpi slt, %get3A_270, %sign3A_276 : i32
    %sign3A_278 = arith.extui %sign3A_277 : i1 to i32
    %sign3A_279 = arith.subi %sign3A_275, %sign3A_278 : i32
    %sign3A_280 = arith.constant 0 : i32
    %sign3A_281 = arith.cmpi sgt, %jit3A_271, %sign3A_280 : i32
    %sign3A_282 = arith.extui %sign3A_281 : i1 to i32
    %sign3A_283 = arith.constant 0 : i32
    %sign3A_284 = arith.cmpi slt, %jit3A_271, %sign3A_283 : i32
    %sign3A_285 = arith.extui %sign3A_284 : i1 to i32
    %sign3A_286 = arith.subi %sign3A_282, %sign3A_285 : i32
    %ne3A_287 = arith.cmpi ne, %sign3A_279, %sign3A_286 : i32
    %rem3A_288 = arith.remsi %get3A_270, %jit3A_271 : i32
    %ne3A_289 = arith.constant 0 : i32
    %ne3A_290 = arith.cmpi ne, %rem3A_288, %ne3A_289 : i32
    %and3A_291 = arith.andi %ne3A_287, %ne3A_290 : i1
    %sub3A_292 = arith.constant 1 : i32
    %sub3A_293 = arith.subi %div3A_272, %sub3A_292 : i32
    %select_n3A_294 = arith.select %and3A_291, %sub3A_293, %div3A_272 : i32
    %mul3A_295 = arith.constant 128 : i32
    %mul3A_296 = arith.muli %select_n3A_294, %mul3A_295 : i32
    %dma_start3A_297 = arith.constant 8 : i32
    %dma_start3A_298 = arith.constant 0 : i32
    %dma_start3A_299 = arith.constant 0 : i32
    %dma_start3A_300 = tpu.memref_slice %arg6[%dma_start3A_297, %dma_start3A_298, %dma_start3A_299] : memref<10x32x128xf32, #tpu.memory_space<vmem>> -> memref<1x32x128xf32, #tpu.memory_space<vmem>>
    %dma_start3A_301 = tpu.memref_squeeze %dma_start3A_300 : memref<1x32x128xf32, #tpu.memory_space<vmem>> -> memref<32x128xf32, #tpu.memory_space<vmem>>
    %dma_start3A_302 = arith.constant 0 : i32
    %dma_start3A_303 = tpu.memref_slice %arg1[%dma_start3A_302, %mul3A_296] : memref<32x1000000xf32, #tpu.memory_space<any>> -> memref<32x128xf32, #tpu.memory_space<any>>
    tpu.enqueue_dma source(%dma_start3A_303 : memref<32x128xf32, #tpu.memory_space<any>>) target(%dma_start3A_301 : memref<32x128xf32, #tpu.memory_space<vmem>>) target_semaphore(%arg7 : memref<!tpu.dma_semaphore, #tpu.memory_space<semaphore_mem>>)
    %get3A_304 = arith.constant 9 : index
    %get3A_305 = memref.load %arg0[%get3A_304] : memref<10xi32, #tpu.memory_space<smem>>
    %jit3A_306 = arith.constant 128 : i32
    %div3A_307 = arith.divsi %get3A_305, %jit3A_306 : i32
    %sign3A_308 = arith.constant 0 : i32
    %sign3A_309 = arith.cmpi sgt, %get3A_305, %sign3A_308 : i32
    %sign3A_310 = arith.extui %sign3A_309 : i1 to i32
    %sign3A_311 = arith.constant 0 : i32
    %sign3A_312 = arith.cmpi slt, %get3A_305, %sign3A_311 : i32
    %sign3A_313 = arith.extui %sign3A_312 : i1 to i32
    %sign3A_314 = arith.subi %sign3A_310, %sign3A_313 : i32
    %sign3A_315 = arith.constant 0 : i32
    %sign3A_316 = arith.cmpi sgt, %jit3A_306, %sign3A_315 : i32
    %sign3A_317 = arith.extui %sign3A_316 : i1 to i32
    %sign3A_318 = arith.constant 0 : i32
    %sign3A_319 = arith.cmpi slt, %jit3A_306, %sign3A_318 : i32
    %sign3A_320 = arith.extui %sign3A_319 : i1 to i32
    %sign3A_321 = arith.subi %sign3A_317, %sign3A_320 : i32
    %ne3A_322 = arith.cmpi ne, %sign3A_314, %sign3A_321 : i32
    %rem3A_323 = arith.remsi %get3A_305, %jit3A_306 : i32
    %ne3A_324 = arith.constant 0 : i32
    %ne3A_325 = arith.cmpi ne, %rem3A_323, %ne3A_324 : i32
    %and3A_326 = arith.andi %ne3A_322, %ne3A_325 : i1
    %sub3A_327 = arith.constant 1 : i32
    %sub3A_328 = arith.subi %div3A_307, %sub3A_327 : i32
    %select_n3A_329 = arith.select %and3A_326, %sub3A_328, %div3A_307 : i32
    %mul3A_330 = arith.constant 128 : i32
    %mul3A_331 = arith.muli %select_n3A_329, %mul3A_330 : i32
    %dma_start3A_332 = arith.constant 9 : i32
    %dma_start3A_333 = arith.constant 0 : i32
    %dma_start3A_334 = arith.constant 0 : i32
    %dma_start3A_335 = tpu.memref_slice %arg6[%dma_start3A_332, %dma_start3A_333, %dma_start3A_334] : memref<10x32x128xf32, #tpu.memory_space<vmem>> -> memref<1x32x128xf32, #tpu.memory_space<vmem>>
    %dma_start3A_336 = tpu.memref_squeeze %dma_start3A_335 : memref<1x32x128xf32, #tpu.memory_space<vmem>> -> memref<32x128xf32, #tpu.memory_space<vmem>>
    %dma_start3A_337 = arith.constant 0 : i32
    %dma_start3A_338 = tpu.memref_slice %arg1[%dma_start3A_337, %mul3A_331] : memref<32x1000000xf32, #tpu.memory_space<any>> -> memref<32x128xf32, #tpu.memory_space<any>>
    tpu.enqueue_dma source(%dma_start3A_338 : memref<32x128xf32, #tpu.memory_space<any>>) target(%dma_start3A_336 : memref<32x128xf32, #tpu.memory_space<vmem>>) target_semaphore(%arg7 : memref<!tpu.dma_semaphore, #tpu.memory_space<semaphore_mem>>)
    %dma_wait3A = arith.constant 0 : i32
    %dma_wait3A_339 = arith.constant 0 : i32
    %dma_wait3A_340 = arith.constant 0 : i32
    %dma_wait3A_341 = tpu.memref_slice %arg6[%dma_wait3A, %dma_wait3A_339, %dma_wait3A_340] : memref<10x32x128xf32, #tpu.memory_space<vmem>> -> memref<1x32x128xf32, #tpu.memory_space<vmem>>
    %dma_wait3A_342 = tpu.memref_squeeze %dma_wait3A_341 : memref<1x32x128xf32, #tpu.memory_space<vmem>> -> memref<32x128xf32, #tpu.memory_space<vmem>>
    %dma_wait3A_343 = arith.constant 0 : i32
    %dma_wait3A_344 = tpu.memref_slice %arg1[%dma_wait3A_343, %mul3A_17] : memref<32x1000000xf32, #tpu.memory_space<any>> -> memref<32x128xf32, #tpu.memory_space<any>>
    tpu.wait_dma2 semaphore(%arg7 : memref<!tpu.dma_semaphore, #tpu.memory_space<semaphore_mem>>) src(%dma_wait3A_344 : memref<32x128xf32, #tpu.memory_space<any>>) dst(%dma_wait3A_342 : memref<32x128xf32, #tpu.memory_space<vmem>>)
    %dma_wait3A_345 = arith.constant 1 : i32
    %dma_wait3A_346 = arith.constant 0 : i32
    %dma_wait3A_347 = arith.constant 0 : i32
    %dma_wait3A_348 = tpu.memref_slice %arg6[%dma_wait3A_345, %dma_wait3A_346, %dma_wait3A_347] : memref<10x32x128xf32, #tpu.memory_space<vmem>> -> memref<1x32x128xf32, #tpu.memory_space<vmem>>
    %dma_wait3A_349 = tpu.memref_squeeze %dma_wait3A_348 : memref<1x32x128xf32, #tpu.memory_space<vmem>> -> memref<32x128xf32, #tpu.memory_space<vmem>>
    %dma_wait3A_350 = arith.constant 0 : i32
    %dma_wait3A_351 = tpu.memref_slice %arg1[%dma_wait3A_350, %mul3A_51] : memref<32x1000000xf32, #tpu.memory_space<any>> -> memref<32x128xf32, #tpu.memory_space<any>>
    tpu.wait_dma2 semaphore(%arg7 : memref<!tpu.dma_semaphore, #tpu.memory_space<semaphore_mem>>) src(%dma_wait3A_351 : memref<32x128xf32, #tpu.memory_space<any>>) dst(%dma_wait3A_349 : memref<32x128xf32, #tpu.memory_space<vmem>>)
    %dma_wait3A_352 = arith.constant 2 : i32
    %dma_wait3A_353 = arith.constant 0 : i32
    %dma_wait3A_354 = arith.constant 0 : i32
    %dma_wait3A_355 = tpu.memref_slice %arg6[%dma_wait3A_352, %dma_wait3A_353, %dma_wait3A_354] : memref<10x32x128xf32, #tpu.memory_space<vmem>> -> memref<1x32x128xf32, #tpu.memory_space<vmem>>
    %dma_wait3A_356 = tpu.memref_squeeze %dma_wait3A_355 : memref<1x32x128xf32, #tpu.memory_space<vmem>> -> memref<32x128xf32, #tpu.memory_space<vmem>>
    %dma_wait3A_357 = arith.constant 0 : i32
    %dma_wait3A_358 = tpu.memref_slice %arg1[%dma_wait3A_357, %mul3A_86] : memref<32x1000000xf32, #tpu.memory_space<any>> -> memref<32x128xf32, #tpu.memory_space<any>>
    tpu.wait_dma2 semaphore(%arg7 : memref<!tpu.dma_semaphore, #tpu.memory_space<semaphore_mem>>) src(%dma_wait3A_358 : memref<32x128xf32, #tpu.memory_space<any>>) dst(%dma_wait3A_356 : memref<32x128xf32, #tpu.memory_space<vmem>>)
    %dma_wait3A_359 = arith.constant 3 : i32
    %dma_wait3A_360 = arith.constant 0 : i32
    %dma_wait3A_361 = arith.constant 0 : i32
    %dma_wait3A_362 = tpu.memref_slice %arg6[%dma_wait3A_359, %dma_wait3A_360, %dma_wait3A_361] : memref<10x32x128xf32, #tpu.memory_space<vmem>> -> memref<1x32x128xf32, #tpu.memory_space<vmem>>
    %dma_wait3A_363 = tpu.memref_squeeze %dma_wait3A_362 : memref<1x32x128xf32, #tpu.memory_space<vmem>> -> memref<32x128xf32, #tpu.memory_space<vmem>>
    %dma_wait3A_364 = arith.constant 0 : i32
    %dma_wait3A_365 = tpu.memref_slice %arg1[%dma_wait3A_364, %mul3A_121] : memref<32x1000000xf32, #tpu.memory_space<any>> -> memref<32x128xf32, #tpu.memory_space<any>>
    tpu.wait_dma2 semaphore(%arg7 : memref<!tpu.dma_semaphore, #tpu.memory_space<semaphore_mem>>) src(%dma_wait3A_365 : memref<32x128xf32, #tpu.memory_space<any>>) dst(%dma_wait3A_363 : memref<32x128xf32, #tpu.memory_space<vmem>>)
    %dma_wait3A_366 = arith.constant 4 : i32
    %dma_wait3A_367 = arith.constant 0 : i32
    %dma_wait3A_368 = arith.constant 0 : i32
    %dma_wait3A_369 = tpu.memref_slice %arg6[%dma_wait3A_366, %dma_wait3A_367, %dma_wait3A_368] : memref<10x32x128xf32, #tpu.memory_space<vmem>> -> memref<1x32x128xf32, #tpu.memory_space<vmem>>
    %dma_wait3A_370 = tpu.memref_squeeze %dma_wait3A_369 : memref<1x32x128xf32, #tpu.memory_space<vmem>> -> memref<32x128xf32, #tpu.memory_space<vmem>>
    %dma_wait3A_371 = arith.constant 0 : i32
    %dma_wait3A_372 = tpu.memref_slice %arg1[%dma_wait3A_371, %mul3A_156] : memref<32x1000000xf32, #tpu.memory_space<any>> -> memref<32x128xf32, #tpu.memory_space<any>>
    tpu.wait_dma2 semaphore(%arg7 : memref<!tpu.dma_semaphore, #tpu.memory_space<semaphore_mem>>) src(%dma_wait3A_372 : memref<32x128xf32, #tpu.memory_space<any>>) dst(%dma_wait3A_370 : memref<32x128xf32, #tpu.memory_space<vmem>>)
    %dma_wait3A_373 = arith.constant 5 : i32
    %dma_wait3A_374 = arith.constant 0 : i32
    %dma_wait3A_375 = arith.constant 0 : i32
    %dma_wait3A_376 = tpu.memref_slice %arg6[%dma_wait3A_373, %dma_wait3A_374, %dma_wait3A_375] : memref<10x32x128xf32, #tpu.memory_space<vmem>> -> memref<1x32x128xf32, #tpu.memory_space<vmem>>
    %dma_wait3A_377 = tpu.memref_squeeze %dma_wait3A_376 : memref<1x32x128xf32, #tpu.memory_space<vmem>> -> memref<32x128xf32, #tpu.memory_space<vmem>>
    %dma_wait3A_378 = arith.constant 0 : i32
    %dma_wait3A_379 = tpu.memref_slice %arg1[%dma_wait3A_378, %mul3A_191] : memref<32x1000000xf32, #tpu.memory_space<any>> -> memref<32x128xf32, #tpu.memory_space<any>>
    tpu.wait_dma2 semaphore(%arg7 : memref<!tpu.dma_semaphore, #tpu.memory_space<semaphore_mem>>) src(%dma_wait3A_379 : memref<32x128xf32, #tpu.memory_space<any>>) dst(%dma_wait3A_377 : memref<32x128xf32, #tpu.memory_space<vmem>>)
    %dma_wait3A_380 = arith.constant 6 : i32
    %dma_wait3A_381 = arith.constant 0 : i32
    %dma_wait3A_382 = arith.constant 0 : i32
    %dma_wait3A_383 = tpu.memref_slice %arg6[%dma_wait3A_380, %dma_wait3A_381, %dma_wait3A_382] : memref<10x32x128xf32, #tpu.memory_space<vmem>> -> memref<1x32x128xf32, #tpu.memory_space<vmem>>
    %dma_wait3A_384 = tpu.memref_squeeze %dma_wait3A_383 : memref<1x32x128xf32, #tpu.memory_space<vmem>> -> memref<32x128xf32, #tpu.memory_space<vmem>>
    %dma_wait3A_385 = arith.constant 0 : i32
    %dma_wait3A_386 = tpu.memref_slice %arg1[%dma_wait3A_385, %mul3A_226] : memref<32x1000000xf32, #tpu.memory_space<any>> -> memref<32x128xf32, #tpu.memory_space<any>>
    tpu.wait_dma2 semaphore(%arg7 : memref<!tpu.dma_semaphore, #tpu.memory_space<semaphore_mem>>) src(%dma_wait3A_386 : memref<32x128xf32, #tpu.memory_space<any>>) dst(%dma_wait3A_384 : memref<32x128xf32, #tpu.memory_space<vmem>>)
    %dma_wait3A_387 = arith.constant 7 : i32
    %dma_wait3A_388 = arith.constant 0 : i32
    %dma_wait3A_389 = arith.constant 0 : i32
    %dma_wait3A_390 = tpu.memref_slice %arg6[%dma_wait3A_387, %dma_wait3A_388, %dma_wait3A_389] : memref<10x32x128xf32, #tpu.memory_space<vmem>> -> memref<1x32x128xf32, #tpu.memory_space<vmem>>
    %dma_wait3A_391 = tpu.memref_squeeze %dma_wait3A_390 : memref<1x32x128xf32, #tpu.memory_space<vmem>> -> memref<32x128xf32, #tpu.memory_space<vmem>>
    %dma_wait3A_392 = arith.constant 0 : i32
    %dma_wait3A_393 = tpu.memref_slice %arg1[%dma_wait3A_392, %mul3A_261] : memref<32x1000000xf32, #tpu.memory_space<any>> -> memref<32x128xf32, #tpu.memory_space<any>>
    tpu.wait_dma2 semaphore(%arg7 : memref<!tpu.dma_semaphore, #tpu.memory_space<semaphore_mem>>) src(%dma_wait3A_393 : memref<32x128xf32, #tpu.memory_space<any>>) dst(%dma_wait3A_391 : memref<32x128xf32, #tpu.memory_space<vmem>>)
    %dma_wait3A_394 = arith.constant 8 : i32
    %dma_wait3A_395 = arith.constant 0 : i32
    %dma_wait3A_396 = arith.constant 0 : i32
    %dma_wait3A_397 = tpu.memref_slice %arg6[%dma_wait3A_394, %dma_wait3A_395, %dma_wait3A_396] : memref<10x32x128xf32, #tpu.memory_space<vmem>> -> memref<1x32x128xf32, #tpu.memory_space<vmem>>
    %dma_wait3A_398 = tpu.memref_squeeze %dma_wait3A_397 : memref<1x32x128xf32, #tpu.memory_space<vmem>> -> memref<32x128xf32, #tpu.memory_space<vmem>>
    %dma_wait3A_399 = arith.constant 0 : i32
    %dma_wait3A_400 = tpu.memref_slice %arg1[%dma_wait3A_399, %mul3A_296] : memref<32x1000000xf32, #tpu.memory_space<any>> -> memref<32x128xf32, #tpu.memory_space<any>>
    tpu.wait_dma2 semaphore(%arg7 : memref<!tpu.dma_semaphore, #tpu.memory_space<semaphore_mem>>) src(%dma_wait3A_400 : memref<32x128xf32, #tpu.memory_space<any>>) dst(%dma_wait3A_398 : memref<32x128xf32, #tpu.memory_space<vmem>>)
    %dma_wait3A_401 = arith.constant 9 : i32
    %dma_wait3A_402 = arith.constant 0 : i32
    %dma_wait3A_403 = arith.constant 0 : i32
    %dma_wait3A_404 = tpu.memref_slice %arg6[%dma_wait3A_401, %dma_wait3A_402, %dma_wait3A_403] : memref<10x32x128xf32, #tpu.memory_space<vmem>> -> memref<1x32x128xf32, #tpu.memory_space<vmem>>
    %dma_wait3A_405 = tpu.memref_squeeze %dma_wait3A_404 : memref<1x32x128xf32, #tpu.memory_space<vmem>> -> memref<32x128xf32, #tpu.memory_space<vmem>>
    %dma_wait3A_406 = arith.constant 0 : i32
    %dma_wait3A_407 = tpu.memref_slice %arg1[%dma_wait3A_406, %mul3A_331] : memref<32x1000000xf32, #tpu.memory_space<any>> -> memref<32x128xf32, #tpu.memory_space<any>>
    tpu.wait_dma2 semaphore(%arg7 : memref<!tpu.dma_semaphore, #tpu.memory_space<semaphore_mem>>) src(%dma_wait3A_407 : memref<32x128xf32, #tpu.memory_space<any>>) dst(%dma_wait3A_405 : memref<32x128xf32, #tpu.memory_space<vmem>>)
    %broadcast_in_dim3A = arith.constant 0.000000e+00 : f32
    %broadcast_in_dim3A_408 = vector.broadcast %broadcast_in_dim3A : f32 to vector<1x32xf32>
    %iota3A = tpu.iota {dimensions = array<i32: 1>} : vector<1x128xi32>
    %get3A_409 = arith.constant 0 : index
    %get3A_410 = memref.load %arg0[%get3A_409] : memref<10xi32, #tpu.memory_space<smem>>
    %jit3A_411 = arith.constant 128 : i32
    %eq3A = arith.constant 0 : i32
    %eq3A_412 = arith.cmpi eq, %jit3A_411, %eq3A : i32
    %jit3A_413 = arith.constant 1 : i32
    %select_n3A_414 = arith.select %eq3A_412, %jit3A_413, %jit3A_411 : i32
    %rem3A_415 = arith.remsi %get3A_410, %select_n3A_414 : i32
    %ne3A_416 = arith.constant 0 : i32
    %ne3A_417 = arith.cmpi ne, %rem3A_415, %ne3A_416 : i32
    %lt3A = arith.constant 0 : i32
    %lt3A_418 = arith.cmpi slt, %rem3A_415, %lt3A : i32
    %lt3A_419 = arith.constant 0 : i32
    %lt3A_420 = arith.cmpi slt, %select_n3A_414, %lt3A_419 : i32
    %ne3A_421 = arith.xori %lt3A_418, %lt3A_420 : i1
    %and3A_422 = arith.andi %ne3A_421, %ne3A_417 : i1
    %add3A = arith.addi %rem3A_415, %select_n3A_414 : i32
    %select_n3A_423 = arith.select %and3A_422, %add3A, %rem3A_415 : i32
    %eq3A_424 = vector.broadcast %select_n3A_423 : i32 to vector<1x128xi32>
    %eq3A_425 = arith.cmpi eq, %iota3A, %eq3A_424 : vector<1x128xi32>
    %get3A_426 = arith.constant 0 : index
    %get3A_427 = arith.constant 0 : index
    %get3A_428 = arith.constant 0 : index
    %get3A_429 = vector.load %arg6[%get3A_426, %get3A_427, %get3A_428] : memref<10x32x128xf32, #tpu.memory_space<vmem>>, vector<1x32x128xf32>
    %get3A_430 = vector.shape_cast %get3A_429 : vector<1x32x128xf32> to vector<32x128xf32>
    %jit3A_431 = arith.constant 0.000000e+00 : f32
    %broadcast_in_dim3A_432 = vector.shape_cast %eq3A_425 : vector<1x128xi1> to vector<1x128xi1>
    %broadcast_in_dim3A_433 = vector.broadcast %broadcast_in_dim3A_432 : vector<1x128xi1> to vector<32x128xi1>
    %broadcast_in_dim3A_434 = vector.broadcast %jit3A_431 : f32 to vector<32x128xf32>
    %select_n3A_435 = arith.select %broadcast_in_dim3A_433, %get3A_430, %broadcast_in_dim3A_434 : vector<32x128xi1>, vector<32x128xf32>
    %reduce_sum3A = arith.constant dense<0.000000e+00> : vector<32xf32>
    %reduce_sum3A_436 = vector.multi_reduction <add>, %select_n3A_435, %reduce_sum3A [1] : vector<32x128xf32> to vector<32xf32>
    %broadcast_in_dim3A_437 = vector.shape_cast %reduce_sum3A_436 : vector<32xf32> to vector<32x1xf32>
    %convert_element_type3A = arith.truncf %broadcast_in_dim3A_437 : vector<32x1xf32> to vector<32x1xbf16>
    %convert_element_type3A_438 = arith.extf %convert_element_type3A : vector<32x1xbf16> to vector<32x1xf32>
    %get3A_439 = arith.constant 0 : index
    %get3A_440 = arith.constant 0 : index
    %get3A_441 = vector.load %arg3[%get3A_439, %get3A_440] : memref<320x32xf32, #tpu.memory_space<vmem>>, vector<32x32xf32>
    %convert_element_type3A_442 = arith.truncf %get3A_441 : vector<32x32xf32> to vector<32x32xbf16>
    %convert_element_type3A_443 = arith.extf %convert_element_type3A_442 : vector<32x32xbf16> to vector<32x32xf32>
    %mul3A_444 = vector.broadcast %convert_element_type3A_438 : vector<32x1xf32> to vector<32x32xf32>
    %mul3A_445 = arith.mulf %convert_element_type3A_443, %mul3A_444 : vector<32x32xf32>
    %reduce_sum3A_446 = arith.constant dense<0.000000e+00> : vector<32xf32>
    %reduce_sum3A_447 = vector.multi_reduction <add>, %mul3A_445, %reduce_sum3A_446 [0] : vector<32x32xf32> to vector<32xf32>
    %broadcast_in_dim3A_448 = vector.shape_cast %reduce_sum3A_447 : vector<32xf32> to vector<1x32xf32>
    %add3A_449 = arith.addf %broadcast_in_dim3A_408, %broadcast_in_dim3A_448 : vector<1x32xf32>
    %get3A_450 = arith.constant 1 : index
    %get3A_451 = memref.load %arg0[%get3A_450] : memref<10xi32, #tpu.memory_space<smem>>
    %jit3A_452 = arith.constant 128 : i32
    %eq3A_453 = arith.constant 0 : i32
    %eq3A_454 = arith.cmpi eq, %jit3A_452, %eq3A_453 : i32
    %jit3A_455 = arith.constant 1 : i32
    %select_n3A_456 = arith.select %eq3A_454, %jit3A_455, %jit3A_452 : i32
    %rem3A_457 = arith.remsi %get3A_451, %select_n3A_456 : i32
    %ne3A_458 = arith.constant 0 : i32
    %ne3A_459 = arith.cmpi ne, %rem3A_457, %ne3A_458 : i32
    %lt3A_460 = arith.constant 0 : i32
    %lt3A_461 = arith.cmpi slt, %rem3A_457, %lt3A_460 : i32
    %lt3A_462 = arith.constant 0 : i32
    %lt3A_463 = arith.cmpi slt, %select_n3A_456, %lt3A_462 : i32
    %ne3A_464 = arith.xori %lt3A_461, %lt3A_463 : i1
    %and3A_465 = arith.andi %ne3A_464, %ne3A_459 : i1
    %add3A_466 = arith.addi %rem3A_457, %select_n3A_456 : i32
    %select_n3A_467 = arith.select %and3A_465, %add3A_466, %rem3A_457 : i32
    %eq3A_468 = vector.broadcast %select_n3A_467 : i32 to vector<1x128xi32>
    %eq3A_469 = arith.cmpi eq, %iota3A, %eq3A_468 : vector<1x128xi32>
    %get3A_470 = arith.constant 1 : index
    %get3A_471 = arith.constant 0 : index
    %get3A_472 = arith.constant 0 : index
    %get3A_473 = vector.load %arg6[%get3A_470, %get3A_471, %get3A_472] : memref<10x32x128xf32, #tpu.memory_space<vmem>>, vector<1x32x128xf32>
    %get3A_474 = vector.shape_cast %get3A_473 : vector<1x32x128xf32> to vector<32x128xf32>
    %jit3A_475 = arith.constant 0.000000e+00 : f32
    %broadcast_in_dim3A_476 = vector.shape_cast %eq3A_469 : vector<1x128xi1> to vector<1x128xi1>
    %broadcast_in_dim3A_477 = vector.broadcast %broadcast_in_dim3A_476 : vector<1x128xi1> to vector<32x128xi1>
    %broadcast_in_dim3A_478 = vector.broadcast %jit3A_475 : f32 to vector<32x128xf32>
    %select_n3A_479 = arith.select %broadcast_in_dim3A_477, %get3A_474, %broadcast_in_dim3A_478 : vector<32x128xi1>, vector<32x128xf32>
    %reduce_sum3A_480 = arith.constant dense<0.000000e+00> : vector<32xf32>
    %reduce_sum3A_481 = vector.multi_reduction <add>, %select_n3A_479, %reduce_sum3A_480 [1] : vector<32x128xf32> to vector<32xf32>
    %broadcast_in_dim3A_482 = vector.shape_cast %reduce_sum3A_481 : vector<32xf32> to vector<32x1xf32>
    %convert_element_type3A_483 = arith.truncf %broadcast_in_dim3A_482 : vector<32x1xf32> to vector<32x1xbf16>
    %convert_element_type3A_484 = arith.extf %convert_element_type3A_483 : vector<32x1xbf16> to vector<32x1xf32>
    %get3A_485 = arith.constant 32 : index
    %get3A_486 = arith.constant 0 : index
    %get3A_487 = vector.load %arg3[%get3A_485, %get3A_486] : memref<320x32xf32, #tpu.memory_space<vmem>>, vector<32x32xf32>
    %convert_element_type3A_488 = arith.truncf %get3A_487 : vector<32x32xf32> to vector<32x32xbf16>
    %convert_element_type3A_489 = arith.extf %convert_element_type3A_488 : vector<32x32xbf16> to vector<32x32xf32>
    %mul3A_490 = vector.broadcast %convert_element_type3A_484 : vector<32x1xf32> to vector<32x32xf32>
    %mul3A_491 = arith.mulf %convert_element_type3A_489, %mul3A_490 : vector<32x32xf32>
    %reduce_sum3A_492 = arith.constant dense<0.000000e+00> : vector<32xf32>
    %reduce_sum3A_493 = vector.multi_reduction <add>, %mul3A_491, %reduce_sum3A_492 [0] : vector<32x32xf32> to vector<32xf32>
    %broadcast_in_dim3A_494 = vector.shape_cast %reduce_sum3A_493 : vector<32xf32> to vector<1x32xf32>
    %add3A_495 = arith.addf %add3A_449, %broadcast_in_dim3A_494 : vector<1x32xf32>
    %get3A_496 = arith.constant 2 : index
    %get3A_497 = memref.load %arg0[%get3A_496] : memref<10xi32, #tpu.memory_space<smem>>
    %jit3A_498 = arith.constant 128 : i32
    %eq3A_499 = arith.constant 0 : i32
    %eq3A_500 = arith.cmpi eq, %jit3A_498, %eq3A_499 : i32
    %jit3A_501 = arith.constant 1 : i32
    %select_n3A_502 = arith.select %eq3A_500, %jit3A_501, %jit3A_498 : i32
    %rem3A_503 = arith.remsi %get3A_497, %select_n3A_502 : i32
    %ne3A_504 = arith.constant 0 : i32
    %ne3A_505 = arith.cmpi ne, %rem3A_503, %ne3A_504 : i32
    %lt3A_506 = arith.constant 0 : i32
    %lt3A_507 = arith.cmpi slt, %rem3A_503, %lt3A_506 : i32
    %lt3A_508 = arith.constant 0 : i32
    %lt3A_509 = arith.cmpi slt, %select_n3A_502, %lt3A_508 : i32
    %ne3A_510 = arith.xori %lt3A_507, %lt3A_509 : i1
    %and3A_511 = arith.andi %ne3A_510, %ne3A_505 : i1
    %add3A_512 = arith.addi %rem3A_503, %select_n3A_502 : i32
    %select_n3A_513 = arith.select %and3A_511, %add3A_512, %rem3A_503 : i32
    %eq3A_514 = vector.broadcast %select_n3A_513 : i32 to vector<1x128xi32>
    %eq3A_515 = arith.cmpi eq, %iota3A, %eq3A_514 : vector<1x128xi32>
    %get3A_516 = arith.constant 2 : index
    %get3A_517 = arith.constant 0 : index
    %get3A_518 = arith.constant 0 : index
    %get3A_519 = vector.load %arg6[%get3A_516, %get3A_517, %get3A_518] : memref<10x32x128xf32, #tpu.memory_space<vmem>>, vector<1x32x128xf32>
    %get3A_520 = vector.shape_cast %get3A_519 : vector<1x32x128xf32> to vector<32x128xf32>
    %jit3A_521 = arith.constant 0.000000e+00 : f32
    %broadcast_in_dim3A_522 = vector.shape_cast %eq3A_515 : vector<1x128xi1> to vector<1x128xi1>
    %broadcast_in_dim3A_523 = vector.broadcast %broadcast_in_dim3A_522 : vector<1x128xi1> to vector<32x128xi1>
    %broadcast_in_dim3A_524 = vector.broadcast %jit3A_521 : f32 to vector<32x128xf32>
    %select_n3A_525 = arith.select %broadcast_in_dim3A_523, %get3A_520, %broadcast_in_dim3A_524 : vector<32x128xi1>, vector<32x128xf32>
    %reduce_sum3A_526 = arith.constant dense<0.000000e+00> : vector<32xf32>
    %reduce_sum3A_527 = vector.multi_reduction <add>, %select_n3A_525, %reduce_sum3A_526 [1] : vector<32x128xf32> to vector<32xf32>
    %broadcast_in_dim3A_528 = vector.shape_cast %reduce_sum3A_527 : vector<32xf32> to vector<32x1xf32>
    %convert_element_type3A_529 = arith.truncf %broadcast_in_dim3A_528 : vector<32x1xf32> to vector<32x1xbf16>
    %convert_element_type3A_530 = arith.extf %convert_element_type3A_529 : vector<32x1xbf16> to vector<32x1xf32>
    %get3A_531 = arith.constant 64 : index
    %get3A_532 = arith.constant 0 : index
    %get3A_533 = vector.load %arg3[%get3A_531, %get3A_532] : memref<320x32xf32, #tpu.memory_space<vmem>>, vector<32x32xf32>
    %convert_element_type3A_534 = arith.truncf %get3A_533 : vector<32x32xf32> to vector<32x32xbf16>
    %convert_element_type3A_535 = arith.extf %convert_element_type3A_534 : vector<32x32xbf16> to vector<32x32xf32>
    %mul3A_536 = vector.broadcast %convert_element_type3A_530 : vector<32x1xf32> to vector<32x32xf32>
    %mul3A_537 = arith.mulf %convert_element_type3A_535, %mul3A_536 : vector<32x32xf32>
    %reduce_sum3A_538 = arith.constant dense<0.000000e+00> : vector<32xf32>
    %reduce_sum3A_539 = vector.multi_reduction <add>, %mul3A_537, %reduce_sum3A_538 [0] : vector<32x32xf32> to vector<32xf32>
    %broadcast_in_dim3A_540 = vector.shape_cast %reduce_sum3A_539 : vector<32xf32> to vector<1x32xf32>
    %add3A_541 = arith.addf %add3A_495, %broadcast_in_dim3A_540 : vector<1x32xf32>
    %get3A_542 = arith.constant 3 : index
    %get3A_543 = memref.load %arg0[%get3A_542] : memref<10xi32, #tpu.memory_space<smem>>
    %jit3A_544 = arith.constant 128 : i32
    %eq3A_545 = arith.constant 0 : i32
    %eq3A_546 = arith.cmpi eq, %jit3A_544, %eq3A_545 : i32
    %jit3A_547 = arith.constant 1 : i32
    %select_n3A_548 = arith.select %eq3A_546, %jit3A_547, %jit3A_544 : i32
    %rem3A_549 = arith.remsi %get3A_543, %select_n3A_548 : i32
    %ne3A_550 = arith.constant 0 : i32
    %ne3A_551 = arith.cmpi ne, %rem3A_549, %ne3A_550 : i32
    %lt3A_552 = arith.constant 0 : i32
    %lt3A_553 = arith.cmpi slt, %rem3A_549, %lt3A_552 : i32
    %lt3A_554 = arith.constant 0 : i32
    %lt3A_555 = arith.cmpi slt, %select_n3A_548, %lt3A_554 : i32
    %ne3A_556 = arith.xori %lt3A_553, %lt3A_555 : i1
    %and3A_557 = arith.andi %ne3A_556, %ne3A_551 : i1
    %add3A_558 = arith.addi %rem3A_549, %select_n3A_548 : i32
    %select_n3A_559 = arith.select %and3A_557, %add3A_558, %rem3A_549 : i32
    %eq3A_560 = vector.broadcast %select_n3A_559 : i32 to vector<1x128xi32>
    %eq3A_561 = arith.cmpi eq, %iota3A, %eq3A_560 : vector<1x128xi32>
    %get3A_562 = arith.constant 3 : index
    %get3A_563 = arith.constant 0 : index
    %get3A_564 = arith.constant 0 : index
    %get3A_565 = vector.load %arg6[%get3A_562, %get3A_563, %get3A_564] : memref<10x32x128xf32, #tpu.memory_space<vmem>>, vector<1x32x128xf32>
    %get3A_566 = vector.shape_cast %get3A_565 : vector<1x32x128xf32> to vector<32x128xf32>
    %jit3A_567 = arith.constant 0.000000e+00 : f32
    %broadcast_in_dim3A_568 = vector.shape_cast %eq3A_561 : vector<1x128xi1> to vector<1x128xi1>
    %broadcast_in_dim3A_569 = vector.broadcast %broadcast_in_dim3A_568 : vector<1x128xi1> to vector<32x128xi1>
    %broadcast_in_dim3A_570 = vector.broadcast %jit3A_567 : f32 to vector<32x128xf32>
    %select_n3A_571 = arith.select %broadcast_in_dim3A_569, %get3A_566, %broadcast_in_dim3A_570 : vector<32x128xi1>, vector<32x128xf32>
    %reduce_sum3A_572 = arith.constant dense<0.000000e+00> : vector<32xf32>
    %reduce_sum3A_573 = vector.multi_reduction <add>, %select_n3A_571, %reduce_sum3A_572 [1] : vector<32x128xf32> to vector<32xf32>
    %broadcast_in_dim3A_574 = vector.shape_cast %reduce_sum3A_573 : vector<32xf32> to vector<32x1xf32>
    %convert_element_type3A_575 = arith.truncf %broadcast_in_dim3A_574 : vector<32x1xf32> to vector<32x1xbf16>
    %convert_element_type3A_576 = arith.extf %convert_element_type3A_575 : vector<32x1xbf16> to vector<32x1xf32>
    %get3A_577 = arith.constant 96 : index
    %get3A_578 = arith.constant 0 : index
    %get3A_579 = vector.load %arg3[%get3A_577, %get3A_578] : memref<320x32xf32, #tpu.memory_space<vmem>>, vector<32x32xf32>
    %convert_element_type3A_580 = arith.truncf %get3A_579 : vector<32x32xf32> to vector<32x32xbf16>
    %convert_element_type3A_581 = arith.extf %convert_element_type3A_580 : vector<32x32xbf16> to vector<32x32xf32>
    %mul3A_582 = vector.broadcast %convert_element_type3A_576 : vector<32x1xf32> to vector<32x32xf32>
    %mul3A_583 = arith.mulf %convert_element_type3A_581, %mul3A_582 : vector<32x32xf32>
    %reduce_sum3A_584 = arith.constant dense<0.000000e+00> : vector<32xf32>
    %reduce_sum3A_585 = vector.multi_reduction <add>, %mul3A_583, %reduce_sum3A_584 [0] : vector<32x32xf32> to vector<32xf32>
    %broadcast_in_dim3A_586 = vector.shape_cast %reduce_sum3A_585 : vector<32xf32> to vector<1x32xf32>
    %add3A_587 = arith.addf %add3A_541, %broadcast_in_dim3A_586 : vector<1x32xf32>
    %get3A_588 = arith.constant 4 : index
    %get3A_589 = memref.load %arg0[%get3A_588] : memref<10xi32, #tpu.memory_space<smem>>
    %jit3A_590 = arith.constant 128 : i32
    %eq3A_591 = arith.constant 0 : i32
    %eq3A_592 = arith.cmpi eq, %jit3A_590, %eq3A_591 : i32
    %jit3A_593 = arith.constant 1 : i32
    %select_n3A_594 = arith.select %eq3A_592, %jit3A_593, %jit3A_590 : i32
    %rem3A_595 = arith.remsi %get3A_589, %select_n3A_594 : i32
    %ne3A_596 = arith.constant 0 : i32
    %ne3A_597 = arith.cmpi ne, %rem3A_595, %ne3A_596 : i32
    %lt3A_598 = arith.constant 0 : i32
    %lt3A_599 = arith.cmpi slt, %rem3A_595, %lt3A_598 : i32
    %lt3A_600 = arith.constant 0 : i32
    %lt3A_601 = arith.cmpi slt, %select_n3A_594, %lt3A_600 : i32
    %ne3A_602 = arith.xori %lt3A_599, %lt3A_601 : i1
    %and3A_603 = arith.andi %ne3A_602, %ne3A_597 : i1
    %add3A_604 = arith.addi %rem3A_595, %select_n3A_594 : i32
    %select_n3A_605 = arith.select %and3A_603, %add3A_604, %rem3A_595 : i32
    %eq3A_606 = vector.broadcast %select_n3A_605 : i32 to vector<1x128xi32>
    %eq3A_607 = arith.cmpi eq, %iota3A, %eq3A_606 : vector<1x128xi32>
    %get3A_608 = arith.constant 4 : index
    %get3A_609 = arith.constant 0 : index
    %get3A_610 = arith.constant 0 : index
    %get3A_611 = vector.load %arg6[%get3A_608, %get3A_609, %get3A_610] : memref<10x32x128xf32, #tpu.memory_space<vmem>>, vector<1x32x128xf32>
    %get3A_612 = vector.shape_cast %get3A_611 : vector<1x32x128xf32> to vector<32x128xf32>
    %jit3A_613 = arith.constant 0.000000e+00 : f32
    %broadcast_in_dim3A_614 = vector.shape_cast %eq3A_607 : vector<1x128xi1> to vector<1x128xi1>
    %broadcast_in_dim3A_615 = vector.broadcast %broadcast_in_dim3A_614 : vector<1x128xi1> to vector<32x128xi1>
    %broadcast_in_dim3A_616 = vector.broadcast %jit3A_613 : f32 to vector<32x128xf32>
    %select_n3A_617 = arith.select %broadcast_in_dim3A_615, %get3A_612, %broadcast_in_dim3A_616 : vector<32x128xi1>, vector<32x128xf32>
    %reduce_sum3A_618 = arith.constant dense<0.000000e+00> : vector<32xf32>
    %reduce_sum3A_619 = vector.multi_reduction <add>, %select_n3A_617, %reduce_sum3A_618 [1] : vector<32x128xf32> to vector<32xf32>
    %broadcast_in_dim3A_620 = vector.shape_cast %reduce_sum3A_619 : vector<32xf32> to vector<32x1xf32>
    %convert_element_type3A_621 = arith.truncf %broadcast_in_dim3A_620 : vector<32x1xf32> to vector<32x1xbf16>
    %convert_element_type3A_622 = arith.extf %convert_element_type3A_621 : vector<32x1xbf16> to vector<32x1xf32>
    %get3A_623 = arith.constant 128 : index
    %get3A_624 = arith.constant 0 : index
    %get3A_625 = vector.load %arg3[%get3A_623, %get3A_624] : memref<320x32xf32, #tpu.memory_space<vmem>>, vector<32x32xf32>
    %convert_element_type3A_626 = arith.truncf %get3A_625 : vector<32x32xf32> to vector<32x32xbf16>
    %convert_element_type3A_627 = arith.extf %convert_element_type3A_626 : vector<32x32xbf16> to vector<32x32xf32>
    %mul3A_628 = vector.broadcast %convert_element_type3A_622 : vector<32x1xf32> to vector<32x32xf32>
    %mul3A_629 = arith.mulf %convert_element_type3A_627, %mul3A_628 : vector<32x32xf32>
    %reduce_sum3A_630 = arith.constant dense<0.000000e+00> : vector<32xf32>
    %reduce_sum3A_631 = vector.multi_reduction <add>, %mul3A_629, %reduce_sum3A_630 [0] : vector<32x32xf32> to vector<32xf32>
    %broadcast_in_dim3A_632 = vector.shape_cast %reduce_sum3A_631 : vector<32xf32> to vector<1x32xf32>
    %add3A_633 = arith.addf %add3A_587, %broadcast_in_dim3A_632 : vector<1x32xf32>
    %get3A_634 = arith.constant 5 : index
    %get3A_635 = memref.load %arg0[%get3A_634] : memref<10xi32, #tpu.memory_space<smem>>
    %jit3A_636 = arith.constant 128 : i32
    %eq3A_637 = arith.constant 0 : i32
    %eq3A_638 = arith.cmpi eq, %jit3A_636, %eq3A_637 : i32
    %jit3A_639 = arith.constant 1 : i32
    %select_n3A_640 = arith.select %eq3A_638, %jit3A_639, %jit3A_636 : i32
    %rem3A_641 = arith.remsi %get3A_635, %select_n3A_640 : i32
    %ne3A_642 = arith.constant 0 : i32
    %ne3A_643 = arith.cmpi ne, %rem3A_641, %ne3A_642 : i32
    %lt3A_644 = arith.constant 0 : i32
    %lt3A_645 = arith.cmpi slt, %rem3A_641, %lt3A_644 : i32
    %lt3A_646 = arith.constant 0 : i32
    %lt3A_647 = arith.cmpi slt, %select_n3A_640, %lt3A_646 : i32
    %ne3A_648 = arith.xori %lt3A_645, %lt3A_647 : i1
    %and3A_649 = arith.andi %ne3A_648, %ne3A_643 : i1
    %add3A_650 = arith.addi %rem3A_641, %select_n3A_640 : i32
    %select_n3A_651 = arith.select %and3A_649, %add3A_650, %rem3A_641 : i32
    %eq3A_652 = vector.broadcast %select_n3A_651 : i32 to vector<1x128xi32>
    %eq3A_653 = arith.cmpi eq, %iota3A, %eq3A_652 : vector<1x128xi32>
    %get3A_654 = arith.constant 5 : index
    %get3A_655 = arith.constant 0 : index
    %get3A_656 = arith.constant 0 : index
    %get3A_657 = vector.load %arg6[%get3A_654, %get3A_655, %get3A_656] : memref<10x32x128xf32, #tpu.memory_space<vmem>>, vector<1x32x128xf32>
    %get3A_658 = vector.shape_cast %get3A_657 : vector<1x32x128xf32> to vector<32x128xf32>
    %jit3A_659 = arith.constant 0.000000e+00 : f32
    %broadcast_in_dim3A_660 = vector.shape_cast %eq3A_653 : vector<1x128xi1> to vector<1x128xi1>
    %broadcast_in_dim3A_661 = vector.broadcast %broadcast_in_dim3A_660 : vector<1x128xi1> to vector<32x128xi1>
    %broadcast_in_dim3A_662 = vector.broadcast %jit3A_659 : f32 to vector<32x128xf32>
    %select_n3A_663 = arith.select %broadcast_in_dim3A_661, %get3A_658, %broadcast_in_dim3A_662 : vector<32x128xi1>, vector<32x128xf32>
    %reduce_sum3A_664 = arith.constant dense<0.000000e+00> : vector<32xf32>
    %reduce_sum3A_665 = vector.multi_reduction <add>, %select_n3A_663, %reduce_sum3A_664 [1] : vector<32x128xf32> to vector<32xf32>
    %broadcast_in_dim3A_666 = vector.shape_cast %reduce_sum3A_665 : vector<32xf32> to vector<32x1xf32>
    %convert_element_type3A_667 = arith.truncf %broadcast_in_dim3A_666 : vector<32x1xf32> to vector<32x1xbf16>
    %convert_element_type3A_668 = arith.extf %convert_element_type3A_667 : vector<32x1xbf16> to vector<32x1xf32>
    %get3A_669 = arith.constant 160 : index
    %get3A_670 = arith.constant 0 : index
    %get3A_671 = vector.load %arg3[%get3A_669, %get3A_670] : memref<320x32xf32, #tpu.memory_space<vmem>>, vector<32x32xf32>
    %convert_element_type3A_672 = arith.truncf %get3A_671 : vector<32x32xf32> to vector<32x32xbf16>
    %convert_element_type3A_673 = arith.extf %convert_element_type3A_672 : vector<32x32xbf16> to vector<32x32xf32>
    %mul3A_674 = vector.broadcast %convert_element_type3A_668 : vector<32x1xf32> to vector<32x32xf32>
    %mul3A_675 = arith.mulf %convert_element_type3A_673, %mul3A_674 : vector<32x32xf32>
    %reduce_sum3A_676 = arith.constant dense<0.000000e+00> : vector<32xf32>
    %reduce_sum3A_677 = vector.multi_reduction <add>, %mul3A_675, %reduce_sum3A_676 [0] : vector<32x32xf32> to vector<32xf32>
    %broadcast_in_dim3A_678 = vector.shape_cast %reduce_sum3A_677 : vector<32xf32> to vector<1x32xf32>
    %add3A_679 = arith.addf %add3A_633, %broadcast_in_dim3A_678 : vector<1x32xf32>
    %get3A_680 = arith.constant 6 : index
    %get3A_681 = memref.load %arg0[%get3A_680] : memref<10xi32, #tpu.memory_space<smem>>
    %jit3A_682 = arith.constant 128 : i32
    %eq3A_683 = arith.constant 0 : i32
    %eq3A_684 = arith.cmpi eq, %jit3A_682, %eq3A_683 : i32
    %jit3A_685 = arith.constant 1 : i32
    %select_n3A_686 = arith.select %eq3A_684, %jit3A_685, %jit3A_682 : i32
    %rem3A_687 = arith.remsi %get3A_681, %select_n3A_686 : i32
    %ne3A_688 = arith.constant 0 : i32
    %ne3A_689 = arith.cmpi ne, %rem3A_687, %ne3A_688 : i32
    %lt3A_690 = arith.constant 0 : i32
    %lt3A_691 = arith.cmpi slt, %rem3A_687, %lt3A_690 : i32
    %lt3A_692 = arith.constant 0 : i32
    %lt3A_693 = arith.cmpi slt, %select_n3A_686, %lt3A_692 : i32
    %ne3A_694 = arith.xori %lt3A_691, %lt3A_693 : i1
    %and3A_695 = arith.andi %ne3A_694, %ne3A_689 : i1
    %add3A_696 = arith.addi %rem3A_687, %select_n3A_686 : i32
    %select_n3A_697 = arith.select %and3A_695, %add3A_696, %rem3A_687 : i32
    %eq3A_698 = vector.broadcast %select_n3A_697 : i32 to vector<1x128xi32>
    %eq3A_699 = arith.cmpi eq, %iota3A, %eq3A_698 : vector<1x128xi32>
    %get3A_700 = arith.constant 6 : index
    %get3A_701 = arith.constant 0 : index
    %get3A_702 = arith.constant 0 : index
    %get3A_703 = vector.load %arg6[%get3A_700, %get3A_701, %get3A_702] : memref<10x32x128xf32, #tpu.memory_space<vmem>>, vector<1x32x128xf32>
    %get3A_704 = vector.shape_cast %get3A_703 : vector<1x32x128xf32> to vector<32x128xf32>
    %jit3A_705 = arith.constant 0.000000e+00 : f32
    %broadcast_in_dim3A_706 = vector.shape_cast %eq3A_699 : vector<1x128xi1> to vector<1x128xi1>
    %broadcast_in_dim3A_707 = vector.broadcast %broadcast_in_dim3A_706 : vector<1x128xi1> to vector<32x128xi1>
    %broadcast_in_dim3A_708 = vector.broadcast %jit3A_705 : f32 to vector<32x128xf32>
    %select_n3A_709 = arith.select %broadcast_in_dim3A_707, %get3A_704, %broadcast_in_dim3A_708 : vector<32x128xi1>, vector<32x128xf32>
    %reduce_sum3A_710 = arith.constant dense<0.000000e+00> : vector<32xf32>
    %reduce_sum3A_711 = vector.multi_reduction <add>, %select_n3A_709, %reduce_sum3A_710 [1] : vector<32x128xf32> to vector<32xf32>
    %broadcast_in_dim3A_712 = vector.shape_cast %reduce_sum3A_711 : vector<32xf32> to vector<32x1xf32>
    %convert_element_type3A_713 = arith.truncf %broadcast_in_dim3A_712 : vector<32x1xf32> to vector<32x1xbf16>
    %convert_element_type3A_714 = arith.extf %convert_element_type3A_713 : vector<32x1xbf16> to vector<32x1xf32>
    %get3A_715 = arith.constant 192 : index
    %get3A_716 = arith.constant 0 : index
    %get3A_717 = vector.load %arg3[%get3A_715, %get3A_716] : memref<320x32xf32, #tpu.memory_space<vmem>>, vector<32x32xf32>
    %convert_element_type3A_718 = arith.truncf %get3A_717 : vector<32x32xf32> to vector<32x32xbf16>
    %convert_element_type3A_719 = arith.extf %convert_element_type3A_718 : vector<32x32xbf16> to vector<32x32xf32>
    %mul3A_720 = vector.broadcast %convert_element_type3A_714 : vector<32x1xf32> to vector<32x32xf32>
    %mul3A_721 = arith.mulf %convert_element_type3A_719, %mul3A_720 : vector<32x32xf32>
    %reduce_sum3A_722 = arith.constant dense<0.000000e+00> : vector<32xf32>
    %reduce_sum3A_723 = vector.multi_reduction <add>, %mul3A_721, %reduce_sum3A_722 [0] : vector<32x32xf32> to vector<32xf32>
    %broadcast_in_dim3A_724 = vector.shape_cast %reduce_sum3A_723 : vector<32xf32> to vector<1x32xf32>
    %add3A_725 = arith.addf %add3A_679, %broadcast_in_dim3A_724 : vector<1x32xf32>
    %get3A_726 = arith.constant 7 : index
    %get3A_727 = memref.load %arg0[%get3A_726] : memref<10xi32, #tpu.memory_space<smem>>
    %jit3A_728 = arith.constant 128 : i32
    %eq3A_729 = arith.constant 0 : i32
    %eq3A_730 = arith.cmpi eq, %jit3A_728, %eq3A_729 : i32
    %jit3A_731 = arith.constant 1 : i32
    %select_n3A_732 = arith.select %eq3A_730, %jit3A_731, %jit3A_728 : i32
    %rem3A_733 = arith.remsi %get3A_727, %select_n3A_732 : i32
    %ne3A_734 = arith.constant 0 : i32
    %ne3A_735 = arith.cmpi ne, %rem3A_733, %ne3A_734 : i32
    %lt3A_736 = arith.constant 0 : i32
    %lt3A_737 = arith.cmpi slt, %rem3A_733, %lt3A_736 : i32
    %lt3A_738 = arith.constant 0 : i32
    %lt3A_739 = arith.cmpi slt, %select_n3A_732, %lt3A_738 : i32
    %ne3A_740 = arith.xori %lt3A_737, %lt3A_739 : i1
    %and3A_741 = arith.andi %ne3A_740, %ne3A_735 : i1
    %add3A_742 = arith.addi %rem3A_733, %select_n3A_732 : i32
    %select_n3A_743 = arith.select %and3A_741, %add3A_742, %rem3A_733 : i32
    %eq3A_744 = vector.broadcast %select_n3A_743 : i32 to vector<1x128xi32>
    %eq3A_745 = arith.cmpi eq, %iota3A, %eq3A_744 : vector<1x128xi32>
    %get3A_746 = arith.constant 7 : index
    %get3A_747 = arith.constant 0 : index
    %get3A_748 = arith.constant 0 : index
    %get3A_749 = vector.load %arg6[%get3A_746, %get3A_747, %get3A_748] : memref<10x32x128xf32, #tpu.memory_space<vmem>>, vector<1x32x128xf32>
    %get3A_750 = vector.shape_cast %get3A_749 : vector<1x32x128xf32> to vector<32x128xf32>
    %jit3A_751 = arith.constant 0.000000e+00 : f32
    %broadcast_in_dim3A_752 = vector.shape_cast %eq3A_745 : vector<1x128xi1> to vector<1x128xi1>
    %broadcast_in_dim3A_753 = vector.broadcast %broadcast_in_dim3A_752 : vector<1x128xi1> to vector<32x128xi1>
    %broadcast_in_dim3A_754 = vector.broadcast %jit3A_751 : f32 to vector<32x128xf32>
    %select_n3A_755 = arith.select %broadcast_in_dim3A_753, %get3A_750, %broadcast_in_dim3A_754 : vector<32x128xi1>, vector<32x128xf32>
    %reduce_sum3A_756 = arith.constant dense<0.000000e+00> : vector<32xf32>
    %reduce_sum3A_757 = vector.multi_reduction <add>, %select_n3A_755, %reduce_sum3A_756 [1] : vector<32x128xf32> to vector<32xf32>
    %broadcast_in_dim3A_758 = vector.shape_cast %reduce_sum3A_757 : vector<32xf32> to vector<32x1xf32>
    %convert_element_type3A_759 = arith.truncf %broadcast_in_dim3A_758 : vector<32x1xf32> to vector<32x1xbf16>
    %convert_element_type3A_760 = arith.extf %convert_element_type3A_759 : vector<32x1xbf16> to vector<32x1xf32>
    %get3A_761 = arith.constant 224 : index
    %get3A_762 = arith.constant 0 : index
    %get3A_763 = vector.load %arg3[%get3A_761, %get3A_762] : memref<320x32xf32, #tpu.memory_space<vmem>>, vector<32x32xf32>
    %convert_element_type3A_764 = arith.truncf %get3A_763 : vector<32x32xf32> to vector<32x32xbf16>
    %convert_element_type3A_765 = arith.extf %convert_element_type3A_764 : vector<32x32xbf16> to vector<32x32xf32>
    %mul3A_766 = vector.broadcast %convert_element_type3A_760 : vector<32x1xf32> to vector<32x32xf32>
    %mul3A_767 = arith.mulf %convert_element_type3A_765, %mul3A_766 : vector<32x32xf32>
    %reduce_sum3A_768 = arith.constant dense<0.000000e+00> : vector<32xf32>
    %reduce_sum3A_769 = vector.multi_reduction <add>, %mul3A_767, %reduce_sum3A_768 [0] : vector<32x32xf32> to vector<32xf32>
    %broadcast_in_dim3A_770 = vector.shape_cast %reduce_sum3A_769 : vector<32xf32> to vector<1x32xf32>
    %add3A_771 = arith.addf %add3A_725, %broadcast_in_dim3A_770 : vector<1x32xf32>
    %get3A_772 = arith.constant 8 : index
    %get3A_773 = memref.load %arg0[%get3A_772] : memref<10xi32, #tpu.memory_space<smem>>
    %jit3A_774 = arith.constant 128 : i32
    %eq3A_775 = arith.constant 0 : i32
    %eq3A_776 = arith.cmpi eq, %jit3A_774, %eq3A_775 : i32
    %jit3A_777 = arith.constant 1 : i32
    %select_n3A_778 = arith.select %eq3A_776, %jit3A_777, %jit3A_774 : i32
    %rem3A_779 = arith.remsi %get3A_773, %select_n3A_778 : i32
    %ne3A_780 = arith.constant 0 : i32
    %ne3A_781 = arith.cmpi ne, %rem3A_779, %ne3A_780 : i32
    %lt3A_782 = arith.constant 0 : i32
    %lt3A_783 = arith.cmpi slt, %rem3A_779, %lt3A_782 : i32
    %lt3A_784 = arith.constant 0 : i32
    %lt3A_785 = arith.cmpi slt, %select_n3A_778, %lt3A_784 : i32
    %ne3A_786 = arith.xori %lt3A_783, %lt3A_785 : i1
    %and3A_787 = arith.andi %ne3A_786, %ne3A_781 : i1
    %add3A_788 = arith.addi %rem3A_779, %select_n3A_778 : i32
    %select_n3A_789 = arith.select %and3A_787, %add3A_788, %rem3A_779 : i32
    %eq3A_790 = vector.broadcast %select_n3A_789 : i32 to vector<1x128xi32>
    %eq3A_791 = arith.cmpi eq, %iota3A, %eq3A_790 : vector<1x128xi32>
    %get3A_792 = arith.constant 8 : index
    %get3A_793 = arith.constant 0 : index
    %get3A_794 = arith.constant 0 : index
    %get3A_795 = vector.load %arg6[%get3A_792, %get3A_793, %get3A_794] : memref<10x32x128xf32, #tpu.memory_space<vmem>>, vector<1x32x128xf32>
    %get3A_796 = vector.shape_cast %get3A_795 : vector<1x32x128xf32> to vector<32x128xf32>
    %jit3A_797 = arith.constant 0.000000e+00 : f32
    %broadcast_in_dim3A_798 = vector.shape_cast %eq3A_791 : vector<1x128xi1> to vector<1x128xi1>
    %broadcast_in_dim3A_799 = vector.broadcast %broadcast_in_dim3A_798 : vector<1x128xi1> to vector<32x128xi1>
    %broadcast_in_dim3A_800 = vector.broadcast %jit3A_797 : f32 to vector<32x128xf32>
    %select_n3A_801 = arith.select %broadcast_in_dim3A_799, %get3A_796, %broadcast_in_dim3A_800 : vector<32x128xi1>, vector<32x128xf32>
    %reduce_sum3A_802 = arith.constant dense<0.000000e+00> : vector<32xf32>
    %reduce_sum3A_803 = vector.multi_reduction <add>, %select_n3A_801, %reduce_sum3A_802 [1] : vector<32x128xf32> to vector<32xf32>
    %broadcast_in_dim3A_804 = vector.shape_cast %reduce_sum3A_803 : vector<32xf32> to vector<32x1xf32>
    %convert_element_type3A_805 = arith.truncf %broadcast_in_dim3A_804 : vector<32x1xf32> to vector<32x1xbf16>
    %convert_element_type3A_806 = arith.extf %convert_element_type3A_805 : vector<32x1xbf16> to vector<32x1xf32>
    %get3A_807 = arith.constant 256 : index
    %get3A_808 = arith.constant 0 : index
    %get3A_809 = vector.load %arg3[%get3A_807, %get3A_808] : memref<320x32xf32, #tpu.memory_space<vmem>>, vector<32x32xf32>
    %convert_element_type3A_810 = arith.truncf %get3A_809 : vector<32x32xf32> to vector<32x32xbf16>
    %convert_element_type3A_811 = arith.extf %convert_element_type3A_810 : vector<32x32xbf16> to vector<32x32xf32>
    %mul3A_812 = vector.broadcast %convert_element_type3A_806 : vector<32x1xf32> to vector<32x32xf32>
    %mul3A_813 = arith.mulf %convert_element_type3A_811, %mul3A_812 : vector<32x32xf32>
    %reduce_sum3A_814 = arith.constant dense<0.000000e+00> : vector<32xf32>
    %reduce_sum3A_815 = vector.multi_reduction <add>, %mul3A_813, %reduce_sum3A_814 [0] : vector<32x32xf32> to vector<32xf32>
    %broadcast_in_dim3A_816 = vector.shape_cast %reduce_sum3A_815 : vector<32xf32> to vector<1x32xf32>
    %add3A_817 = arith.addf %add3A_771, %broadcast_in_dim3A_816 : vector<1x32xf32>
    %get3A_818 = arith.constant 9 : index
    %get3A_819 = memref.load %arg0[%get3A_818] : memref<10xi32, #tpu.memory_space<smem>>
    %jit3A_820 = arith.constant 128 : i32
    %eq3A_821 = arith.constant 0 : i32
    %eq3A_822 = arith.cmpi eq, %jit3A_820, %eq3A_821 : i32
    %jit3A_823 = arith.constant 1 : i32
    %select_n3A_824 = arith.select %eq3A_822, %jit3A_823, %jit3A_820 : i32
    %rem3A_825 = arith.remsi %get3A_819, %select_n3A_824 : i32
    %ne3A_826 = arith.constant 0 : i32
    %ne3A_827 = arith.cmpi ne, %rem3A_825, %ne3A_826 : i32
    %lt3A_828 = arith.constant 0 : i32
    %lt3A_829 = arith.cmpi slt, %rem3A_825, %lt3A_828 : i32
    %lt3A_830 = arith.constant 0 : i32
    %lt3A_831 = arith.cmpi slt, %select_n3A_824, %lt3A_830 : i32
    %ne3A_832 = arith.xori %lt3A_829, %lt3A_831 : i1
    %and3A_833 = arith.andi %ne3A_832, %ne3A_827 : i1
    %add3A_834 = arith.addi %rem3A_825, %select_n3A_824 : i32
    %select_n3A_835 = arith.select %and3A_833, %add3A_834, %rem3A_825 : i32
    %eq3A_836 = vector.broadcast %select_n3A_835 : i32 to vector<1x128xi32>
    %eq3A_837 = arith.cmpi eq, %iota3A, %eq3A_836 : vector<1x128xi32>
    %get3A_838 = arith.constant 9 : index
    %get3A_839 = arith.constant 0 : index
    %get3A_840 = arith.constant 0 : index
    %get3A_841 = vector.load %arg6[%get3A_838, %get3A_839, %get3A_840] : memref<10x32x128xf32, #tpu.memory_space<vmem>>, vector<1x32x128xf32>
    %get3A_842 = vector.shape_cast %get3A_841 : vector<1x32x128xf32> to vector<32x128xf32>
    %jit3A_843 = arith.constant 0.000000e+00 : f32
    %broadcast_in_dim3A_844 = vector.shape_cast %eq3A_837 : vector<1x128xi1> to vector<1x128xi1>
    %broadcast_in_dim3A_845 = vector.broadcast %broadcast_in_dim3A_844 : vector<1x128xi1> to vector<32x128xi1>
    %broadcast_in_dim3A_846 = vector.broadcast %jit3A_843 : f32 to vector<32x128xf32>
    %select_n3A_847 = arith.select %broadcast_in_dim3A_845, %get3A_842, %broadcast_in_dim3A_846 : vector<32x128xi1>, vector<32x128xf32>
    %reduce_sum3A_848 = arith.constant dense<0.000000e+00> : vector<32xf32>
    %reduce_sum3A_849 = vector.multi_reduction <add>, %select_n3A_847, %reduce_sum3A_848 [1] : vector<32x128xf32> to vector<32xf32>
    %broadcast_in_dim3A_850 = vector.shape_cast %reduce_sum3A_849 : vector<32xf32> to vector<32x1xf32>
    %convert_element_type3A_851 = arith.truncf %broadcast_in_dim3A_850 : vector<32x1xf32> to vector<32x1xbf16>
    %convert_element_type3A_852 = arith.extf %convert_element_type3A_851 : vector<32x1xbf16> to vector<32x1xf32>
    %get3A_853 = arith.constant 288 : index
    %get3A_854 = arith.constant 0 : index
    %get3A_855 = vector.load %arg3[%get3A_853, %get3A_854] : memref<320x32xf32, #tpu.memory_space<vmem>>, vector<32x32xf32>
    %convert_element_type3A_856 = arith.truncf %get3A_855 : vector<32x32xf32> to vector<32x32xbf16>
    %convert_element_type3A_857 = arith.extf %convert_element_type3A_856 : vector<32x32xbf16> to vector<32x32xf32>
    %mul3A_858 = vector.broadcast %convert_element_type3A_852 : vector<32x1xf32> to vector<32x32xf32>
    %mul3A_859 = arith.mulf %convert_element_type3A_857, %mul3A_858 : vector<32x32xf32>
    %reduce_sum3A_860 = arith.constant dense<0.000000e+00> : vector<32xf32>
    %reduce_sum3A_861 = vector.multi_reduction <add>, %mul3A_859, %reduce_sum3A_860 [0] : vector<32x32xf32> to vector<32xf32>
    %broadcast_in_dim3A_862 = vector.shape_cast %reduce_sum3A_861 : vector<32xf32> to vector<1x32xf32>
    %add3A_863 = arith.addf %add3A_817, %broadcast_in_dim3A_862 : vector<1x32xf32>
    %get3A_864 = arith.constant 0 : index
    %get3A_865 = arith.constant 0 : index
    %get3A_866 = vector.load %arg2[%get3A_864, %get3A_865] : memref<16384x32xf32, #tpu.memory_space<vmem>>, vector<16384x32xf32>
    %convert_element_type3A_867 = arith.truncf %get3A_866 : vector<16384x32xf32> to vector<16384x32xbf16>
    %get3A_868 = arith.constant 0 : index
    %get3A_869 = arith.constant 0 : index
    %get3A_870 = vector.load %arg4[%get3A_868, %get3A_869] : memref<32x32xf32, #tpu.memory_space<vmem>>, vector<32x32xf32>
    %convert_element_type3A_871 = arith.truncf %get3A_870 : vector<32x32xf32> to vector<32x32xbf16>
    %dot_general3A = arith.constant dense<0.000000e+00> : vector<16384x32xf32>
    %dot_general3A_872 = tpu.matmul %convert_element_type3A_867, %convert_element_type3A_871, %dot_general3A {dimension_numbers = #tpu.dot_dimension_numbers<[1], [1], [0], [0], [0, 0, 1, 0], [], []>, transpose_lhs_hint = false} : vector<16384x32xbf16>, vector<32x32xbf16>, vector<16384x32xf32> -> vector<16384x32xf32>
    %mul3A_873 = vector.broadcast %add3A_863 : vector<1x32xf32> to vector<16384x32xf32>
    %mul3A_874 = arith.mulf %dot_general3A_872, %mul3A_873 : vector<16384x32xf32>
    %reduce_sum3A_875 = arith.constant dense<0.000000e+00> : vector<16384xf32>
    %reduce_sum3A_876 = vector.multi_reduction <add>, %mul3A_874, %reduce_sum3A_875 [1] : vector<16384x32xf32> to vector<16384xf32>
    %broadcast_in_dim3A_877 = vector.shape_cast %reduce_sum3A_876 : vector<16384xf32> to vector<16384x1xf32>
    %mul3A_878 = arith.mulf %add3A_863, %add3A_863 : vector<1x32xf32>
    %reduce_sum3A_879 = vector.shape_cast %mul3A_878 : vector<1x32xf32> to vector<1x1x32xf32>
    %reduce_sum3A_880 = arith.constant dense<0.000000e+00> : vector<1xf32>
    %reduce_sum3A_881 = vector.multi_reduction <add>, %reduce_sum3A_879, %reduce_sum3A_880 [1, 2] : vector<1x1x32xf32> to vector<1xf32>
    %reduce_sum3A_882 = vector.shape_cast %reduce_sum3A_881 : vector<1xf32> to vector<1x1x1xf32>
    %reduce_sum3A_883 = vector.extract %reduce_sum3A_882[0, 0, 0] : f32 from vector<1x1x1xf32>
    %sqrt3A = math.sqrt %reduce_sum3A_883 : f32
    %mul3A_884 = arith.mulf %dot_general3A_872, %dot_general3A_872 : vector<16384x32xf32>
    %reduce_sum3A_885 = arith.constant dense<0.000000e+00> : vector<16384xf32>
    %reduce_sum3A_886 = vector.multi_reduction <add>, %mul3A_884, %reduce_sum3A_885 [1] : vector<16384x32xf32> to vector<16384xf32>
    %broadcast_in_dim3A_887 = vector.shape_cast %reduce_sum3A_886 : vector<16384xf32> to vector<16384x1xf32>
    %sqrt3A_888 = math.sqrt %broadcast_in_dim3A_887 : vector<16384x1xf32>
    %max3A = arith.constant 9.99999993E-9 : f32
    %max3A_889 = arith.maximumf %sqrt3A, %max3A : f32
    %max3A_890 = arith.constant 9.99999993E-9 : f32
    %max3A_891 = vector.broadcast %max3A_890 : f32 to vector<16384x1xf32>
    %max3A_892 = arith.maximumf %sqrt3A_888, %max3A_891 : vector<16384x1xf32>
    %mul3A_893 = vector.broadcast %max3A_889 : f32 to vector<16384x1xf32>
    %mul3A_894 = arith.mulf %mul3A_893, %max3A_892 : vector<16384x1xf32>
    %div3A_895 = arith.divf %broadcast_in_dim3A_877, %mul3A_894 : vector<16384x1xf32>
    %swap3A = arith.constant 0 : index
    %swap3A_896 = arith.constant 0 : index
    %swap3A_897 = vector.load %arg5[%swap3A, %swap3A_896] : memref<16384x1xf32, #tpu.memory_space<vmem>>, vector<16384x1xf32>
    tpu.vector_store %arg5[%swap3A, %swap3A_896], %div3A_895 {strides = array<i32>} : memref<16384x1xf32, #tpu.memory_space<vmem>>, vector<16384x1xf32>,
    return
  }
}

</mosaic_0001>

<sc_bundles>
// kernel: kernel.4.cloned.1.call-start
scs
__scs_entry_jumppad:
0x0: {  	(pc) =	sbr.rel $0x88, $3  }
0x1: {  	(tag) =	ssettag $0x0;
	lr =	simm.s32 $0x1  }
0x2: {  	[smem:$0x3F9B] =	sst lr;
	_ =	strace $0xD0000000  }
0x3: {  	_ = 	snop  }
0x4: {  	_ = 	snop  }
0x5: {  	_ = 	snop  }
0x6: {  	_ = 	snop  }
0x7: {  	_ = 	snop  }
__scs_overlays_trampoline_lowered:
0x8: {  	[smem:$0x3FAA] =	sst s0  }
0x9: {  	[smem:$0x3FAB] =	sst s1  }
0xa: {  	[smem:$0x3FAC] =	sst s2  }
0xb: {  	[smem:$0x3FAD] =	sst s3  }
0xc: {  	[smem:$0x3FAE] =	sst s4  }
0xd: {  	[smem:$0x3FAF] =	sst s5  }
0xe: {  	[smem:$0x3FB0] =	sst s6  }
0xf: {  	[smem:$0x3FB1] =	sst s7  }
0x10: {  	[smem:$0x3FB2] =	sst s8  }
0x11: {  	[smem:$0x3FB3] =	sst s9;
	s0 =	simm.s32 @!p0 $0x0  }
0x12: {  	s1 =	sld [smem:$0x3F99];
	s0 =	simm.s32 @p0 $0x1  }
0x13: {  	[smem:$0x3FB4] =	sst s0;
	s0 =	simm.s32 @!p1 $0x0  }
0x14: {  	s2 =	sld [smem:$0x3F98];
	s0 =	simm.s32 @p1 $0x1  }
0x15: {  	[smem:$0x3FB5] =	sst s0;
	s0 =	simm.s32 @!p2 $0x0  }
0x16: {  	s3 =	sld [smem:$0x3FDB];
	s0 =	simm.s32 @p2 $0x1  }
0x17: {  	s4 =	simm.s32 $0x1BF5;
	[smem:$0x3FB7] =	sst s0  }
0x18: {  	s0 =	sld [smem:$0x3F9A];
	_ =	swait.ge [sflag:s4], $0x0  }
0x19: {  	s7 =	sld [smem:$0x3F9B]  }
0x1a: {  	s8 =	sadd.s32 $0xFFFFE003, lr  }
0x1b: {  	s9 =	sadd.s32 $0xFFFFFEF7, lr;
	s5 =	simm.s32 $0xFFFFFFFF;
	p2 =	slt.u32 s8, $0xFFFFF086  }
0x1c: {  	p1 =	slt.u32 s9, $0xF7A;
	s5 =	simm.s32 @!p2 $0x0  }
0x1d: {  	s5 =	simm.s32 @p1 $0x1;
	p0 =	seq.s32 s7, s2  }
0x1e: {  	s7 =	smul.u32 @!p0 $0xF7A, s2;
	p2 =	seq.s32 @!p0 s5, $0x0  }
0x1f: {  	s9 =	smul.u32 $0xF7A, s1;
	s8 =	simm.s32 @!p0 $0x1BF5;
	p2 =	por !p2, p0  }
0x20: {  	[sflag:s8] =	ssyncset.s32 @!p0 $0xFFFFF086;
	s6 =	sadd.s32 @!p0 s3, s7;
	s7 =	simm.s32 @!p0 $0x108  }
0x21: {  	s3 =	sadd.s32 s3, s9;
	s6 =	sadd.s32 @!p0 $0x88, s6;
	s7 =	simm.s32 @p2 $0x1082  }
0x22: {  	[simem:s7], [sflag:s8] =	dma.local @!p0 [hbm:s6], $0xF7A  }
0x23: {  	s9 =	sor.u32 $0xD0000000, s2;
	s6 =	simm.s32 $0x108;
	_ =	swait.ge @!p0 [sflag:s8], $0x0  }
0x24: {  	s3 =	sadd.s32 $0x88, s3;
	s6 =	simm.s32 @!p1 $0x1082;
	[sflag:s4] =	ssyncset.s32 $0xFFFFF086  }
0x25: {  	[simem:s6], [sflag:s4] =	dma.local [hbm:s3], $0xF7A  }
0x26: {  	[smem:$0x3F9B] =	sst s1;
	(tag) =	ssettag s2;
	_ =	strace s9  }
0x27: {  	s1 =	sld [smem:$0x3FAB]  }
0x28: {  	s2 =	sld [smem:$0x3FAC]  }
0x29: {  	s4 =	sld [smem:$0x3FAE]  }
0x2a: {  	p0 =	seq.s32 s5, $0x0;
	s5 =	sld [smem:$0x3FAF]  }
0x2b: {  	s6 =	sld [smem:$0x3FB0]  }
0x2c: {  	s7 =	sld [smem:$0x3FB1]  }
0x2d: {  	s3 =	simm.s32 $0x108;
	s8 =	sld [smem:$0x3FB2]  }
0x2e: {  	s3 =	simm.s32 @!p0 $0x1082;
	s9 =	sld [smem:$0x3FB3]  }
0x2f: {  	lr =	sadd.s32 s0, s3;
	s0 =	sld [smem:$0x3FAA]  }
0x30: {  	s3 =	sld [smem:$0x3FAD]  }
0x31: {  	[smem:$0x3FB6] =	sst s10  }
0x32: {  	s10 =	sld [smem:$0x3FB4];
	_ =	sdelay $0x3  }
0x33: {  	p0 =	seq.s32 s10, $0x1;
	s10 =	sld [smem:$0x3FB6];
	_ =	sdelay $0x3  }
0x34: {  	[smem:$0x3FB6] =	sst s10  }
0x35: {  	s10 =	sld [smem:$0x3FB5];
	_ =	sdelay $0x3  }
0x36: {  	p1 =	seq.s32 s10, $0x1;
	s10 =	sld [smem:$0x3FB6];
	_ =	sdelay $0x3  }
0x37: {  	[smem:$0x3FB6] =	sst s10  }
0x38: {  	s10 =	sld [smem:$0x3FB7]  }
0x39: {  	_ = 	snop;
	(pc) =	sbr.ind lr, $3  }
0x3a: {  	_ = 	snop  }
0x3b: {  	_ = 	snop  }
0x3c: {  	p2 =	seq.s32 s10, $0x1;
	s10 =	sld [smem:$0x3FB6]  }
0x3d: {  	_ =	shalt  }
0x3e: {  	_ =	shalt  }
0x3f: {  	_ =	shalt  }
0x40: {  	_ =	shalt  }
0x41: {  	_ =	shalt  }
0x42: {  	_ =	shalt  }
0x43: {  	_ =	shalt  }
0x44: {  	_ =	shalt  }
0x45: {  	_ =	shalt  }
0x46: {  	_ =	shalt  }
0x47: {  	_ =	shalt  }
0x48: {  	_ =	shalt  }
0x49: {  	_ =	shalt  }
0x4a: {  	_ =	shalt  }
0x4b: {  	_ =	shalt  }
0x4c: {  	_ =	shalt  }
0x4d: {  	_ =	shalt  }
0x4e: {  	_ =	shalt  }
0x4f: {  	_ =	shalt  }
0x50: {  	_ =	shalt  }
0x51: {  	_ =	shalt  }
0x52: {  	_ =	shalt  }
0x53: {  	_ =	shalt  }
0x54: {  	_ =	shalt  }
0x55: {  	_ =	shalt  }
0x56: {  	_ =	shalt  }
0x57: {  	_ =	shalt  }
0x58: {  	_ =	shalt  }
0x59: {  	_ =	shalt  }
0x5a: {  	_ =	shalt  }
0x5b: {  	_ =	shalt  }
0x5c: {  	_ =	shalt  }
0x5d: {  	_ =	shalt  }
0x5e: {  	_ =	shalt  }
0x5f: {  	_ =	shalt  }
0x60: {  	_ =	shalt  }
0x61: {  	_ =	shalt  }
0x62: {  	_ =	shalt  }
0x63: {  	_ =	shalt  }
0x64: {  	_ =	shalt  }
0x65: {  	_ =	shalt  }
0x66: {  	_ =	shalt  }
0x67: {  	_ =	shalt  }
0x68: {  	_ =	shalt  }
0x69: {  	_ =	shalt  }
0x6a: {  	_ =	shalt  }
0x6b: {  	_ =	shalt  }
0x6c: {  	_ =	shalt  }
0x6d: {  	_ =	shalt  }
0x6e: {  	_ =	shalt  }
0x6f: {  	_ =	shalt  }
0x70: {  	_ =	shalt  }
0x71: {  	_ =	shalt  }
0x72: {  	_ =	shalt  }
0x73: {  	_ =	shalt  }
0x74: {  	_ =	shalt  }
0x75: {  	_ =	shalt  }
0x76: {  	_ =	shalt  }
0x77: {  	_ =	shalt  }
0x78: {  	_ =	shalt  }
0x79: {  	_ =	shalt  }
0x7a: {  	_ =	shalt  }
0x7b: {  	_ =	shalt  }
0x7c: {  	_ =	shalt  }
0x7d: {  	_ =	shalt  }
0x7e: {  	_ =	shalt  }
0x7f: {  	_ =	shalt  }
0x80: {  	_ =	shalt  }
0x81: {  	_ =	shalt  }
0x82: {  	_ =	shalt  }
0x83: {  	_ =	shalt  }
0x84: {  	_ =	shalt  }
0x85: {  	_ =	shalt  }
0x86: {  	_ =	shalt  }
0x87: {  	_ =	shalt  }
.Lfunc_end0:
.L_simem_size_0:
called_computation_lowered:
.L_overlay_start_0:
0x88: {  	s2 =	sld [smem:$0x3FD9]  }
0x89: {  	s3 =	sld [smem:$0x3FFE];
	_ =	sdelay $0x1  }
0x8a: {  	s1 =	srdreg.scid  }
0x8b: {  	s0 =	sand.u32 $0x1, s1  }
0x8c: {  	s17 =	sshll.u32 s0, $0xA;
	s2 =	sadd.s32 s3, s2  }
0x8d: {  	s2 =	sadd.s32 s2, s17  }
0x8e: {  	[smem:$0x3FC2] =	sst s2  }
0x8f: {  	_ = 	snop  }
0x90: {  	s2 =	sld [smem:$0x3FC8];
	(tm) =	ssettm $0x1  }
0x91: {  	s18 =	sld [smem:$0x3FFB];
	_ =	sdelay $0x3  }
0x92: {  	_ =	strace s18  }
0x93: {  	s3 =	sld [smem:$0x3FFC];
	_ =	sdelay $0x3  }
0x94: {  	_ =	strace s3  }
0x95: {  	s3 =	sld [smem:$0x3FFD];
	_ =	sdelay $0x3  }
0x96: {  	_ =	strace s3  }
0x97: {  	_ =	strace $0x8FFFFFFF  }
0x98: {  	s19 =	sld [smem:$0x3FDB];
	_ =	sdelay $0x1  }
0x99: {  	s4 =	simm.s32 $_scs_section_size  }
0x9a: {  	s5 =	simm.s32 $_size__tile_overlayer_lowered;
	s6 =	simm.s32 $_tile_overlayer_lowered  }
0x9b: {  	s22 =	simm.s32 $0x1BFF;
	s21 =	sshll.u32 s6, $0x1;
	s3 =	sadd.s32 s4, s19  }
0x9c: {  	s7 =	simm.s32 $0x0;
	s20 =	sshll.u32 s5, $0x1;
	s5 =	sadd.s32 s21, s3  }
0x9d: {  	[timem:s7], [sflag:s22] =	dma.local [hbm:s5], s20  }
0x9e: {  	_ =	swait.ge [sflag:s22], s20  }
0x9f: {  	s4 =	ssub.s32 $0x0, s20;
	[sflag:s22] =	ssyncset.done $0x0  }
0xa0: {  	[sflag:s22] =	ssyncadd.s32 s4;
	_ =	sdelay $0x1  }
0xa1: {  	s23 =	simm.s32 $0x1B8B  }
0xa2: {  	_ =	swait.ge [sflag:s23], $0x1  }
0xa3: {  	[sflag:s23] =	ssyncset.done $0x0  }
0xa4: {  	s25 =	simm.s32 $0x1B8E;
	s24 =	sld [smem:$0x3FFE];
	[sflag:s23] =	ssyncadd.s32 $0xFFFFFFFF  }
0xa5: {  	s26 =	simm.s32 $execute0_lowered;
	[smem:$0x3FD2] =	sst s25  }
0xa6: {  	s5 =	sshll.u32 s26, $0x1;
	_ =	strace $0x80000046;
	[dreg:$0x1] =	wrdreg $0xFFFFFFFF  }
0xa7: {  	s28 =	simm.s32 $_size_execute0_lowered;
	s3 =	sadd.s32 s3, s5;
	[dreg:$0x0] =	wrdreg $0x0  }
0xa8: {  	s5 =	sshll.u32 s28, $0x1;
	[dreg:$0x2] =	wrdreg s3  }
0xa9: {  	[dreg:$0x3] =	wrdreg s5  }
0xaa: {  	[dreg:$0x4] =	wrdreg $0xC0  }
0xab: {  	_ =	task [dreg:s7], $0x5FFFF  }
0xac: {  	[dreg:$0x1] =	wrdreg $0xFFFFFFFF  }
0xad: {  	[dreg:$0x0] =	wrdreg $0x60  }
0xae: {  	[dreg:$0x2] =	wrdreg s24  }
0xaf: {  	[dreg:$0x3] =	wrdreg s2  }
0xb0: {  	[dreg:$0x4] =	wrdreg $0x9  }
0xb1: {  	_ =	task.clear_ibuf [dreg:s7], $0x5FFFF;
	_ =	strace $0x90000046  }
0xb2: {  	s29 =	simm.s32 $0x9;
	_ =	strace $0x80000048  }
0xb3: {  	_ =	swait.ge [sflag:s29], $0x1  }
0xb4: {  	[sflag:s29] =	ssyncadd.s32 $0xFFFFFFFF  }
0xb5: {  	_ =	strace $0x90000048  }
0xb6: {  	_ =	sfence  }
0xb7: {  	s30 =	sld [smem:$0x0];
	_ =	sdelay $0x2  }
0xb8: {  	s31 =	sshll.u32 s1, $0xD;
	s1 =	sshrl.u32 s1, $0x2  }
0xb9: {  	s3 =	sand.u32 $0x4000, s31;
	s1 =	sadd.s32 s1, s30  }
0xba: {  	s0 =	sor.u32 s3, s0;
	s1 =	sshll.u32 s1, $0x11  }
0xbb: {  	s0 =	sor.u32 s1, s0  }
0xbc: {  	s0 =	sadd.s32 $0x8F2B, s0  }
0xbd: {  	[sflag:s0] =	ssyncadd.remote.s32 $0x1  }
0xbe: {  	_ =	sfence.sel $0xFFFF  }
0xbf: {  	[dreg:$0x0] =	wrdreg $0xFFFFFFFF;
	(pc) =	sbr.abs _section_cstart, $3  }
0xc0: {  	[dreg:$0x1] =	wrdreg $0xFFFFFFFF  }
0xc1: {  	_ =	task.clear_ibuf [dreg:s7], $0x2FFFF;
	_ =	strace $0x9FFFFFFF  }
0xc2: {  	(tm) =	ssettm $0x7FFFFFFF  }
0xc3: {  	_ =	shalt  }
tec
execute0_lowered:
.L_overlay_start_1:
0x0: {  	(tag) =	ssettag $0x1  }
0x1: {  	s1 =	srdreg.scid  }
0x2: {  	s14 =	rddreg [dreg:$0x0];
	s0 =	stileid.u32;
	s15 =	sand.u32 $0x1, s1  }
0x3: {  	s3 =	rddreg [dreg:$0x1];
	s4 =	sshll.u32 s0, $0x3;
	s5 =	sshll.u32 s15, $0x2  }
0x4: {  	s2 =	simm.s32 $0x0;
	s1 =	rddreg [dreg:$0x2];
	s16 =	sor.u32 s5, s4  }
0x5: {  	[smem:$0x7FF] =	sst s2;
	s4 =	sshll.u32 s16, $0x4  }
0x6: {  	_ =	strace $0x80000047;
	s4 =	sadd.s32 s3, s4;
	s3 =	simm.s32 $0x2  }
0x7: {  	[tilespmem:s2], [sflag:$0x2] =	stream.linear.gather [hbm4b:s4+s2], $0x200, $0x38;
	[tilespmem:$0x4200] =	vst v63  }
0x8: {  	_ =	swait.ge [sflag:s3], $0x200  }
0x9: {  	s6 =	simm.s32 $0x80;
	[sflag:s3] =	ssyncset.done $0x0  }
0xa: {  	s7 =	simm.s32 $0x200;
	s5 =	sadd.s32 $0xF42A00, s14;
	[sflag:s3] =	ssyncadd.s32 $0xFFFFFE00  }
0xb: {  	[tilespmem:s7], [sflag:$0x1] =	stream.indirect.gather [hbm4b:s5+s6], $0x20, s2, s6, $0xb8;
	[tilespmem:$0x4200] =	vst v63  }
0xc: {  	s8 =	simm.s32 $0x1200  }
0xd: {  	[tilespmem:s8], [sflag:$0x1] =	stream.indirect.gather [hbm4b:s5+s6], $0x20, s6, s6, $0xb8;
	[tilespmem:$0x4200] =	vst v63  }
0xe: {  	s9 =	simm.s32 $0x100;
	s10 =	simm.s32 $0x2200  }
0xf: {  	[tilespmem:s10], [sflag:$0x1] =	stream.indirect.gather [hbm4b:s5+s6], $0x20, s9, s6, $0xb8;
	[tilespmem:$0x4200] =	vst v63  }
0x10: {  	s11 =	simm.s32 $0x180;
	s12 =	simm.s32 $0x3200;
	s13 =	simm.s32 $0x1  }
0x11: {  	[tilespmem:s12], [sflag:$0x1] =	stream.indirect.gather [hbm4b:s5+s6], $0x20, s11, s6, $0xb8;
	[tilespmem:$0x4200] =	vst v63  }
0x12: {  	_ =	swait.ge [sflag:s13], $0x1000  }
0x13: {  	[sflag:s13] =	ssyncset.done $0x0  }
0x14: {  	[sflag:s13] =	ssyncadd.s32 $0xFFFFF000  }
0x15: {  	_ =	swait.ge [sflag:s13], $0x1000  }
0x16: {  	[sflag:s13] =	ssyncset.done $0x0  }
0x17: {  	s15 =	ssub.s32 $0x2, s15;
	[sflag:s13] =	ssyncadd.s32 $0xFFFFF000  }
0x18: {  	s17 =	sshrl.u32 s15, $0x1;
	_ =	swait.ge [sflag:s13], $0x1000  }
0x19: {  	s15 =	ssub.s32 s15, s17;
	[sflag:s13] =	ssyncset.done $0x0  }
0x1a: {  	s15 =	smax.u32 s15, $0x1;
	[sflag:s13] =	ssyncadd.s32 $0xFFFFF000  }
0x1b: {  	s16 =	sshll.u32 s16, $0x9;
	p0 =	sne.s32 s15, $0x1;
	_ =	swait.ge [sflag:s13], $0x1000  }
.Ltmp0:
0x1c: {  	s14 =	sadd.s32 s16, s14;
	[sflag:s13] =	ssyncset.done $0x0;
	(pc) =	sbr.rel @!p0 .LBB2_2-.Ltmp0, $4  }
0x1d: {  	s14 =	sadd.s32 $0x600, s14;
	[sflag:s13] =	ssyncadd.s32 $0xFFFFF000  }
0x1e: {  	[hbm4b:s14+s2] =	stream.linear.scatter [tilespmem:s7], [sflag:$0x2], $0x4000, $0x38;
	[tilespmem:$0x4200] =	vst v63  }
0x1f: {  	_ =	swait.ge [sflag:s3], $0x4000  }
0x20: {  	s15 =	sadd.s32 $0xFFFFFFFF, s15;
	[sflag:s3] =	ssyncset.done $0x0  }
.LBB2_1:
0x21: {  	p0 =	sne.s32 s15, $0x1;
	s15 =	sadd.s32 $0xFFFFFFFF, s15;
	[sflag:s3] =	ssyncadd.s32 $0xFFFFC000  }
0x22: {  	[tilespmem:s2], [sflag:$0x2] =	stream.linear.gather [hbm4b:s4+s2], $0x200, $0x38;
	[tilespmem:$0x4200] =	vst v63  }
0x23: {  	_ =	swait.ge [sflag:s3], $0x200  }
0x24: {  	[sflag:s3] =	ssyncset.done $0x0  }
0x25: {  	[sflag:s3] =	ssyncadd.s32 $0xFFFFFE00  }
0x26: {  	[tilespmem:s7], [sflag:$0x1] =	stream.indirect.gather [hbm4b:s5+s6], $0x20, s2, s6, $0xb8;
	[tilespmem:$0x4200] =	vst v63  }
0x27: {  	_ = 	snop  }
0x28: {  	[tilespmem:s8], [sflag:$0x1] =	stream.indirect.gather [hbm4b:s5+s6], $0x20, s6, s6, $0xb8;
	[tilespmem:$0x4200] =	vst v63  }
0x29: {  	_ = 	snop  }
0x2a: {  	[tilespmem:s10], [sflag:$0x1] =	stream.indirect.gather [hbm4b:s5+s6], $0x20, s9, s6, $0xb8;
	[tilespmem:$0x4200] =	vst v63  }
0x2b: {  	_ = 	snop  }
0x2c: {  	[tilespmem:s12], [sflag:$0x1] =	stream.indirect.gather [hbm4b:s5+s6], $0x20, s11, s6, $0xb8;
	[tilespmem:$0x4200] =	vst v63  }
0x2d: {  	_ =	swait.ge [sflag:s13], $0x1000  }
0x2e: {  	[sflag:s13] =	ssyncset.done $0x0  }
0x2f: {  	[sflag:s13] =	ssyncadd.s32 $0xFFFFF000  }
0x30: {  	_ =	swait.ge [sflag:s13], $0x1000  }
0x31: {  	[sflag:s13] =	ssyncset.done $0x0  }
0x32: {  	[sflag:s13] =	ssyncadd.s32 $0xFFFFF000  }
0x33: {  	_ =	swait.ge [sflag:s13], $0x1000  }
0x34: {  	[sflag:s13] =	ssyncset.done $0x0  }
0x35: {  	[sflag:s13] =	ssyncadd.s32 $0xFFFFF000  }
0x36: {  	_ =	swait.ge [sflag:s13], $0x1000  }
.Ltmp1:
0x37: {  	[sflag:s13] =	ssyncset.done $0x0;
	(pc) =	sbr.rel @p0 .LBB2_1-.Ltmp1, $4  }
0x38: {  	[sflag:s13] =	ssyncadd.s32 $0xFFFFF000  }
0x39: {  	[hbm4b:s14+s2] =	stream.linear.scatter [tilespmem:s7], [sflag:$0x2], $0x4000, $0x38;
	[tilespmem:$0x4200] =	vst v63  }
0x3a: {  	_ =	swait.ge [sflag:s3], $0x4000  }
0x3b: {  	[sflag:s3] =	ssyncset.done $0x0  }
.LBB2_2:
0x3c: {  	[sflag:s3] =	ssyncadd.s32 $0xFFFFC000  }
0x3d: {  	_ =	sfence.sel $0x180000  }
0x3e: {  	[bflag:$0x0] =	sbarrier.arrive $0xFFFF  }
0x3f: {  	p0 =	sne.s32 s0, $0x0;
	_ =	strace $0x90000047  }
0x40: {  	s0 =	sadd.s32 @!p0 $0x100000, s1;
	[bflag:$0x2] =	sbarrier.arrive $0xFFFF  }
0x41: {  	[sflag:s0] =	ssyncadd.tile.s32 @!p0 $0x1;
	_ =	shalt  }
.Lfunc_end2:
_tile_overlayer_lowered:
.L_overlay_start_2:
0x42: {  	(tag) =	ssettag $0x2  }
0x43: {  	s0 =	rddreg [dreg:$0x0];
	s2 =	stileid.u32  }
0x44: {  	s1 =	rddreg [dreg:$0x1];
	p0 =	sne.s32 s2, $0x0  }
0x45: {  	s3 =	rddreg [dreg:$0x2];
	[bflag:$0x3] =	sbarrier.arrive $0xFFFF;
	s2 =	simm.s32 @!p0 $0x1C02  }
0x46: {  	[timem:s3], [sflag:s2] =	dma.local @!p0 [hbm:s0], s1  }
0x47: {  	s0 =	simm.s32 @!p0 $0x2  }
0x48: {  	_ =	swait.ge @!p0 [sflag:s0], s1  }
0x49: {  	s1 =	ssub.s32 @!p0 $0x0, s1;
	[sflag:s0] =	ssyncset.done @!p0 $0x0  }
0x4a: {  	[sflag:s0] =	ssyncadd.s32 @!p0 s1  }
0x4b: {  	[bflag:$0x3] =	sbarrier.arrive $0xFFFF  }
0x4c: {  	_ =	shalt  }

</sc_bundles>
